<compile_context>
chip_gen: v7x
topology: tpu7x:2x2x1
jax: 0.10.2.dev20260603
libtpu: 0.0.44.dev20260713+nightly
codegen_flags: <defaults>
</compile_context>

<pallas_src>
import functools
import math

import jax
import jax.numpy as jnp
from jax import lax
from jax.experimental import pallas as pl
from jax.experimental.pallas import tpu as pltpu
from jax.experimental.pallas import tpu_sc as plsc

F32 = jnp.float32


def _proj_body(x_ref, xyz_ref, w_inT, b_in, w_qT, b_q, w_kT, b_k, w_vT, b_v,
               q_ref, tab_ref, *, d_t):
    x = x_ref[...]
    t = jnp.dot(x, w_inT[...], preferred_element_type=F32) + b_in[...]
    q = jnp.dot(t, w_qT[...], preferred_element_type=F32) + b_q[...]
    kk = jnp.dot(t, w_kT[...], preferred_element_type=F32) + b_k[...]
    vv = jnp.dot(t, w_vT[...], preferred_element_type=F32) + b_v[...]
    q_ref[...] = q
    tab_ref[:, 0:d_t] = kk
    tab_ref[:, d_t:2 * d_t] = vv
    tab_ref[:, 2 * d_t:2 * d_t + 16] = xyz_ref[...]


def _proj(ftsT, xyzf, w_inT, b_in, w_qT, b_q, w_kT, b_k, w_vT, b_v, *, bn):
    total, d = ftsT.shape
    d_t = w_inT.shape[1]
    tw = 2 * d_t + 16
    grid = (total // bn,)
    full = lambda a: pl.BlockSpec(a.shape, lambda i: (0,) * a.ndim)
    return pl.pallas_call(
        functools.partial(_proj_body, d_t=d_t),
        grid=grid,
        in_specs=[
            pl.BlockSpec((bn, d), lambda i: (i, 0)),
            pl.BlockSpec((bn, 16), lambda i: (i, 0)),
            full(w_inT), full(b_in), full(w_qT), full(b_q),
            full(w_kT), full(b_k), full(w_vT), full(b_v),
        ],
        out_specs=[
            pl.BlockSpec((bn, d_t), lambda i: (i, 0)),
            pl.BlockSpec((bn, tw), lambda i: (i, 0)),
        ],
        out_shape=[
            jax.ShapeDtypeStruct((total, d_t), F32),
            jax.ShapeDtypeStruct((total, tw), F32),
        ],
    )(ftsT, xyzf, w_inT, b_in, w_qT, b_q, w_kT, b_k, w_vT, b_v)


def _knn_body(rows_ref, all_ref, ids_ref, *, n, kk):
    rows = rows_ref[0]
    alls = all_ref[0]
    bn = rows.shape[0]
    sq_r = jnp.sum(rows * rows, axis=1, keepdims=True)
    dims = (((1,), (1,)), ((), ()))
    sq_a = lax.dot_general(jnp.ones((1, 16), F32), alls * alls, dims,
                           preferred_element_type=F32)
    cross = lax.dot_general(rows, alls, dims,
                            preferred_element_type=F32)
    dist = sq_r + sq_a - 2.0 * cross
    bits = lax.bitcast_convert_type(dist, jnp.int32)
    sortable = bits ^ (lax.shift_right_arithmetic(bits, 31)
                       & jnp.int32(0x7FFFFFFF))
    iota = lax.broadcasted_iota(jnp.int32, (bn, n), 1)
    key0 = (sortable & jnp.int32(-2048)) | iota
    kio = lax.broadcasted_iota(jnp.int32, (bn, kk), 1)
    imax = jnp.int32(0x7FFFFFFF)

    qw = n // 4
    q0, q1 = key0[:, 0:qw], key0[:, qw:2 * qw]
    q2, q3 = key0[:, 2 * qw:3 * qw], key0[:, 3 * qw:4 * qw]
    mnmx = lambda a, b: (jnp.minimum(a, b), jnp.maximum(a, b))
    s0, s1 = mnmx(q0, q1)
    s2, s3 = mnmx(q2, q3)
    s0, s2 = mnmx(s0, s2)
    s1, s3 = mnmx(s1, s3)
    s1, s2 = mnmx(s1, s2)

    def step(j, carry):
        t0, t1, t2, t3, acc = carry
        m = jnp.min(t0, axis=1, keepdims=True)
        acc = jnp.where(kio == j, m & jnp.int32(2047), acc)
        e = t0 == m
        t0 = jnp.where(e, t1, t0)
        t1 = jnp.where(e, t2, t1)
        t2 = jnp.where(e, t3, t2)
        t3 = jnp.where(e, imax, t3)
        return t0, t1, t2, t3, acc

    carry = (s0, s1, s2, s3, jnp.zeros((bn, kk), jnp.int32))
    for j in range(kk):
        carry = step(j, carry)
    ids = carry[-1]
    bi = pl.program_id(0)
    ids_ref[0] = ids + bi * n


def _knn(xyz_p, *, bn, kk):
    b, n, _ = xyz_p.shape
    grid = (b, n // bn)
    return pl.pallas_call(
        functools.partial(_knn_body, n=n, kk=kk),
        grid=grid,
        in_specs=[
            pl.BlockSpec((1, bn, 16), lambda bi, i: (bi, i, 0)),
            pl.BlockSpec((1, n, 16), lambda bi, i: (bi, 0, 0)),
        ],
        out_specs=pl.BlockSpec((1, bn, kk), lambda bi, i: (bi, i, 0)),
        out_shape=jax.ShapeDtypeStruct((b, n, kk), jnp.int32),
    )(xyz_p, xyz_p)


def _gather_sc(table, idx):
    m = idx.shape[0]
    tw = table.shape[1]
    dt = table.dtype
    info = plsc.get_sparse_core_info()
    nw = info.num_cores * info.num_subcores
    chunk = 128
    per_w = m // nw
    n_chunks = per_w // chunk
    mesh = plsc.VectorSubcoreMesh(core_axis_name="c", subcore_axis_name="s")

    @functools.partial(
        pl.kernel,
        mesh=mesh,
        compiler_params=pltpu.CompilerParams(use_tc_tiling_on_sc=False),
        out_type=jax.ShapeDtypeStruct((m, tw), dt),
        scratch_types=[
            pltpu.VMEM((chunk,), jnp.int32),
            pltpu.VMEM((chunk, tw), dt),
            pltpu.SemaphoreType.DMA,
        ],
    )
    def gk(tab_hbm, idx_hbm, out_hbm, idx_v, rows_v, sem):
        wid = lax.axis_index("s") * info.num_cores + lax.axis_index("c")

        def body(c, _):
            base = wid * per_w + c * chunk
            pltpu.sync_copy(idx_hbm.at[pl.ds(base, chunk)], idx_v)
            pltpu.async_copy(tab_hbm.at[idx_v], rows_v, sem).wait()
            pltpu.sync_copy(rows_v, out_hbm.at[pl.ds(base, chunk)])
            return 0

        lax.fori_loop(0, n_chunks, body, 0)

    return gk(table, idx)


def _attn_body(q_ref, xyz_ref, g_ref, res_ref,
               w_p1T, b_p1, w_p2T, b_p2, w_a1T, b_a1, w_a2T, b_a2,
               w_oT, b_o, out_ref, attn_ref, *, d_t, kk, scale):
    g = g_ref[...]
    bnk = g.shape[0]
    bn = bnk // kk
    kl = g[:, 0:d_t]
    vl = g[:, d_t:2 * d_t]
    xl = g[:, 2 * d_t:2 * d_t + 16]
    xc = xyz_ref[...]
    xcr = jnp.reshape(jnp.broadcast_to(xc[:, None, :], (bn, kk, 16)),
                      (bnk, 16))
    pos_raw = xl - xcr
    ph = jnp.maximum(
        jnp.dot(pos_raw, w_p1T[...], preferred_element_type=F32) + b_p1[...],
        0.0)
    pos = jnp.dot(ph.astype(jnp.bfloat16), w_p2T[...],
                  preferred_element_type=F32) + b_p2[...]
    qb = q_ref[...]
    qr = jnp.reshape(jnp.broadcast_to(qb[:, None, :], (bn, kk, d_t)),
                     (bnk, d_t))
    a0 = qr - kl + pos
    h = jnp.maximum(
        jnp.dot(a0.astype(jnp.bfloat16), w_a1T[...],
                preferred_element_type=F32) + b_a1[...], 0.0)
    a2 = jnp.dot(h.astype(jnp.bfloat16), w_a2T[...],
                 preferred_element_type=F32) + b_a2[...]
    z3 = jnp.reshape(a2 * scale, (bn, kk, d_t))
    mx = jnp.max(z3, axis=1, keepdims=True)
    e = jnp.exp(z3 - mx)
    s = jnp.sum(e, axis=1, keepdims=True)
    attn3 = e / s
    attn_ref[...] = jnp.reshape(attn3, (bnk, d_t))
    w3 = jnp.reshape(vl + pos, (bn, kk, d_t))
    agg = jnp.sum(attn3 * w3, axis=1)
    out_ref[...] = (jnp.dot(agg, w_oT[...], preferred_element_type=F32)
                    + b_o[...] + res_ref[...])


def _attn(q, xyzf, g, ftsT, w_p1T, b_p1, w_p2T, b_p2, w_a1T, b_a1,
          w_a2T, b_a2, w_oT, b_o, *, bn, kk):
    total, d_t = q.shape
    d = ftsT.shape[1]
    tw = g.shape[1]
    grid = (total // bn,)
    full = lambda a: pl.BlockSpec(a.shape, lambda i: (0,) * a.ndim)
    scale = 1.0 / math.sqrt(d_t)
    return pl.pallas_call(
        functools.partial(_attn_body, d_t=d_t, kk=kk, scale=scale),
        grid=grid,
        in_specs=[
            pl.BlockSpec((bn, d_t), lambda i: (i, 0)),
            pl.BlockSpec((bn, 16), lambda i: (i, 0)),
            pl.BlockSpec((bn * kk, tw), lambda i: (i, 0)),
            pl.BlockSpec((bn, d), lambda i: (i, 0)),
            full(w_p1T), full(b_p1), full(w_p2T), full(b_p2),
            full(w_a1T), full(b_a1), full(w_a2T), full(b_a2),
            full(w_oT), full(b_o),
        ],
        out_specs=[
            pl.BlockSpec((bn, d), lambda i: (i, 0)),
            pl.BlockSpec((bn * kk, d_t), lambda i: (i, 0)),
        ],
        out_shape=[
            jax.ShapeDtypeStruct((total, d), F32),
            jax.ShapeDtypeStruct((total * kk, d_t), F32),
        ],
    )(q, xyzf, g, ftsT, w_p1T, b_p1, w_p2T, b_p2, w_a1T, b_a1,
      w_a2T, b_a2, w_oT, b_o)


def kernel(xyz, fts, w_in, b_in, w_q, b_q, w_k, b_k, w_v, b_v,
           w_pos1, b_pos1, w_pos2, b_pos2, w_a1, b_a1, w_a2, b_a2,
           w_out, b_out, k):
    b, d, n = fts.shape
    d_t = w_in.shape[0]
    kk = 16

    xyz_p = jnp.pad(xyz, ((0, 0), (0, 0), (0, 13)))
    xyzf = xyz_p.reshape(b * n, 16)
    ftsT = jnp.transpose(fts, (0, 2, 1)).reshape(b * n, d)

    r1 = lambda v: v.reshape(1, -1)
    w_p1T = jnp.pad(w_pos1.T, ((0, 13), (0, 0)))

    q, table = _proj(ftsT, xyzf, w_in.T, r1(b_in), w_q.T, r1(b_q),
                     w_k.T, r1(b_k), w_v.T, r1(b_v), bn=512)

    outs, attns = [], []
    for bi in range(b):
        gidx = _knn(xyz_p[bi:bi + 1], bn=1024, kk=kk)
        idx_flat = gidx.reshape(n * kk) + jnp.int32(bi * n)
        g = _gather_sc(table, idx_flat)
        o, a = _attn(q[bi * n:(bi + 1) * n], xyzf[bi * n:(bi + 1) * n], g,
                     ftsT[bi * n:(bi + 1) * n],
                     w_p1T, r1(b_pos1),
                     w_pos2.T.astype(jnp.bfloat16), r1(b_pos2),
                     w_a1.T.astype(jnp.bfloat16), r1(b_a1),
                     w_a2.T.astype(jnp.bfloat16), r1(b_a2),
                     w_out.T, r1(b_out), bn=256, kk=kk)
        outs.append(o)
        attns.append(a)

    fts_out = jnp.stack(outs).reshape(b, n, d).transpose(0, 2, 1)
    attn_out = jnp.stack(attns).reshape(b, n, kk, d_t).transpose(0, 3, 1, 2)
    return (fts_out, attn_out)

# --- scband reference (transcript-rebuilt; emitter-appended) ---
"""Pipeline reference for scband-transformer-43568148251442 (READ-ONLY COPY).

The authoritative reference and input builder live on the scoring server;
editing this copy changes nothing except your own understanding.
"""

import jax, jax.numpy as jnp
import numpy as np


def conv1d(x, w, b):
    # x: (b, c, n), w: (o, c), b: (o,) -> (b, o, n)
    return jnp.einsum('oc,bcn->bon', w, x) + b[None, :, None]


def conv2d(x, w, b):
    # x: (b, c, n, k), w: (o, c), b: (o,) -> (b, o, n, k)
    return jnp.einsum('oc,bcnk->bonk', w, x) + b[None, :, None, None]


def setup_inputs(seed: int = 0) -> dict:
    key = jax.random.key(seed)
    ks = jax.random.split(key, 24)
    b, n, d, d_t = 4, 2048, 256, 64
    def p(kx, shape):
        return jax.random.normal(kx, shape, dtype=jnp.float32) * 0.05
    inp = {}
    inp['xyz'] = jax.random.normal(ks[0], (b, n, 3), dtype=jnp.float32)
    inp['fts'] = jax.random.normal(ks[1], (b, d, n), dtype=jnp.float32)
    inp['w_in'] = p(ks[2], (d_t, d)); inp['b_in'] = p(ks[3], (d_t,))
    inp['w_q'] = p(ks[4], (d_t, d_t)); inp['b_q'] = p(ks[5], (d_t,))
    inp['w_k'] = p(ks[6], (d_t, d_t)); inp['b_k'] = p(ks[7], (d_t,))
    inp['w_v'] = p(ks[8], (d_t, d_t)); inp['b_v'] = p(ks[9], (d_t,))
    inp['w_pos1'] = p(ks[10], (d_t, 3)); inp['b_pos1'] = p(ks[11], (d_t,))
    inp['w_pos2'] = p(ks[12], (d_t, d_t)); inp['b_pos2'] = p(ks[13], (d_t,))
    inp['w_a1'] = p(ks[14], (4 * d_t, d_t)); inp['b_a1'] = p(ks[15], (4 * d_t,))
    inp['w_a2'] = p(ks[16], (d_t, 4 * d_t)); inp['b_a2'] = p(ks[17], (d_t,))
    inp['w_out'] = p(ks[18], (d, d_t)); inp['b_out'] = p(ks[19], (d,))
    inp['k'] = 16
    return inp


def reference(xyz, fts, w_in, b_in, w_q, b_q, w_k, b_k, w_v, b_v,
              w_pos1, b_pos1, w_pos2, b_pos2, w_a1, b_a1, w_a2, b_a2,
              w_out, b_out, k):
    d_t = w_in.shape[0]
    # knn: pairwise squared distances then smallest-k
    sq = jnp.sum(xyz ** 2, axis=2)
    dist = sq[:, :, None] + sq[:, None, :] - 2.0 * jnp.einsum('bnc,bmc->bnm', xyz, xyz)
    _, ids = jax.lax.top_k(-dist, 16)  # (b, n, k)
    ids = ids + (k - k)
    xyz_l = jax.vmap(lambda x, i: x[i])(xyz, ids)  # (b, n, k, 3)
    res = fts
    fts_t = conv1d(fts, w_in, b_in)
    fts_q = conv1d(fts_t, w_q, b_q)
    fts_k = conv1d(fts_t, w_k, b_k)
    fts_v = conv1d(fts_t, w_v, b_v)
    group = jax.vmap(lambda f, i: f[:, i])  # (c,n),(n,k)->(c,n,k)
    fts_kl = group(fts_k, ids)  # (b, d_t, n, k)
    fts_vl = group(fts_v, ids)  # (b, d_t, n, k)
    pos = jnp.transpose(xyz_l - xyz[:, :, None, :], (0, 3, 1, 2))  # (b,3,n,k)
    pos = conv2d(jax.nn.relu(conv2d(pos, w_pos1, b_pos1)), w_pos2, b_pos2)
    a = fts_q[:, :, :, None] - fts_kl + pos
    a = conv2d(jax.nn.relu(conv2d(a, w_a1, b_a1)), w_a2, b_a2)
    attn = jax.nn.softmax(a / np.sqrt(d_t), axis=-1)
    fts_out = jnp.sum(attn * (fts_vl + pos), axis=-1)  # (b, d_t, n)
    fts_out = conv1d(fts_out, w_out, b_out) + res
    return (fts_out, attn)

if __name__ == "__main__":
    import jax
    _d = setup_inputs()
    print(jax.jit(kernel)(*tuple(_d.values())))

</pallas_src>

<mosaic_0001>
#map = affine_map<(d0, d1) -> (0, 0)>
#map1 = affine_map<(d0, d1) -> (0)>
module attributes {stable_mosaic.version = 14 : i64} {
  func.func @gk(%arg0: i32, %arg1: i32, %arg2: memref<8192x144xf32, #tpu.memory_space<hbm>>, %arg3: memref<32768xi32, #tpu.memory_space<hbm>>, %arg4: memref<32768x144xf32, #tpu.memory_space<hbm>>, %arg5: memref<128xi32, #tpu.memory_space<vmem>>, %arg6: memref<128x144xf32, #tpu.memory_space<vmem>>, %arg7: memref<!tpu.dma_semaphore, #tpu.memory_space<semaphore_mem>>) attributes {dimension_semantics = [#tpu.dimension_semantics<core_parallel>, #tpu.dimension_semantics<subcore_parallel>], iteration_bounds = array<i64: 2, 16>, scalar_prefetch = 0 : i64, scratch_operands = 3 : i64, tpu.core_type = #tpu.core_type<sc_vector_subcore>, window_params = [{transform_indices = #map}, {transform_indices = #map1}, {transform_indices = #map}]} {
    %mul3A = arith.constant 2 : i32
    %mul3A_0 = arith.muli %arg1, %mul3A : i32
    %add3A = arith.addi %mul3A_0, %arg0 : i32
    %scan3A = arith.constant 0 : i32
    %scan3A_1 = arith.constant 0 : i32
    %scan3A_2 = arith.constant 8 : i32
    %scan3A_3 = arith.addi %scan3A_1, %scan3A_2 : i32
    %scan3A_4 = arith.constant 1 : i32
    %scan3A_5 = scf.for %scan3A_7 = %scan3A_1 to %scan3A_3 step %scan3A_4 iter_args(%scan3A_8 = %scan3A) -> (i32)  : i32 {
      %mul3A_9 = arith.constant 1024 : i32
      %mul3A_10 = arith.muli %add3A, %mul3A_9 : i32
      %mul3A_11 = arith.constant 128 : i32
      %mul3A_12 = arith.muli %scan3A_7, %mul3A_11 : i32
      %add3A_13 = arith.addi %mul3A_10, %mul3A_12 : i32
      "tpu.region"() ({
        %run_scoped3A = tpu.sem_alloc : memref<!tpu.dma_semaphore, #tpu.memory_space<semaphore_mem>>
        %dma_start3A_19 = tpu.memref_slice %arg3[%add3A_13] : memref<32768xi32, #tpu.memory_space<hbm>> -> memref<128xi32, #tpu.memory_space<hbm>>
        %dma_start3A_20 = tpu.memref_slice %arg3[%add3A_13] : memref<32768xi32, #tpu.memory_space<hbm>> -> memref<128xi32, #tpu.memory_space<hbm>>
        tpu.enqueue_dma source(%dma_start3A_20 : memref<128xi32, #tpu.memory_space<hbm>>) target(%arg5 : memref<128xi32, #tpu.memory_space<vmem>>) target_semaphore(%run_scoped3A : memref<!tpu.dma_semaphore, #tpu.memory_space<semaphore_mem>>)
        %dma_wait3A_21 = tpu.memref_slice %arg3[%add3A_13] : memref<32768xi32, #tpu.memory_space<hbm>> -> memref<128xi32, #tpu.memory_space<hbm>>
        %dma_wait3A_22 = tpu.memref_slice %arg3[%add3A_13] : memref<32768xi32, #tpu.memory_space<hbm>> -> memref<128xi32, #tpu.memory_space<hbm>>
        tpu.wait_dma2 semaphore(%run_scoped3A : memref<!tpu.dma_semaphore, #tpu.memory_space<semaphore_mem>>) src(%dma_wait3A_22 : memref<128xi32, #tpu.memory_space<hbm>>) dst(%arg5 : memref<128xi32, #tpu.memory_space<vmem>>)
        tpu.yield
      }) : () -> ()
      %dma_start3A = arith.constant 0 : i32
      %dma_start3A_14 = arith.constant 0 : i32
      %dma_start3A_15 = tpu.memref_slice %arg2[%dma_start3A, %dma_start3A_14] : memref<8192x144xf32, #tpu.memory_space<hbm>> -> memref<8192x144xf32, #tpu.memory_space<hbm>>
      tpu.enqueue_indirect_dma source(%dma_start3A_15 : memref<8192x144xf32, #tpu.memory_space<hbm>>) target(%arg6 : memref<128x144xf32, #tpu.memory_space<vmem>>) offsets(%arg5 : memref<128xi32, #tpu.memory_space<vmem>>) semaphore(%arg7 : memref<!tpu.dma_semaphore, #tpu.memory_space<semaphore_mem>>)
      %dma_wait3A = arith.constant 0 : i32
      %dma_wait3A_16 = arith.constant 0 : i32
      %dma_wait3A_17 = tpu.memref_slice %arg2[%dma_wait3A, %dma_wait3A_16] : memref<8192x144xf32, #tpu.memory_space<hbm>> -> memref<8192x144xf32, #tpu.memory_space<hbm>>
      tpu.wait_indirect_dma semaphore(%arg7 : memref<!tpu.dma_semaphore, #tpu.memory_space<semaphore_mem>>) src(%dma_wait3A_17 : memref<8192x144xf32, #tpu.memory_space<hbm>>) dst(%arg6 : memref<128x144xf32, #tpu.memory_space<vmem>>)
      "tpu.region"() ({
        %run_scoped3A = tpu.sem_alloc : memref<!tpu.dma_semaphore, #tpu.memory_space<semaphore_mem>>
        %dma_start3A_19 = arith.constant 0 : i32
        %dma_start3A_20 = tpu.memref_slice %arg4[%add3A_13, %dma_start3A_19] : memref<32768x144xf32, #tpu.memory_space<hbm>> -> memref<128x144xf32, #tpu.memory_space<hbm>>
        %dma_start3A_21 = arith.constant 0 : i32
        %dma_start3A_22 = tpu.memref_slice %arg4[%add3A_13, %dma_start3A_21] : memref<32768x144xf32, #tpu.memory_space<hbm>> -> memref<128x144xf32, #tpu.memory_space<hbm>>
        tpu.enqueue_dma source(%arg6 : memref<128x144xf32, #tpu.memory_space<vmem>>) target(%dma_start3A_22 : memref<128x144xf32, #tpu.memory_space<hbm>>) target_semaphore(%run_scoped3A : memref<!tpu.dma_semaphore, #tpu.memory_space<semaphore_mem>>)
        %dma_wait3A_23 = arith.constant 0 : i32
        %dma_wait3A_24 = tpu.memref_slice %arg4[%add3A_13, %dma_wait3A_23] : memref<32768x144xf32, #tpu.memory_space<hbm>> -> memref<128x144xf32, #tpu.memory_space<hbm>>
        %dma_wait3A_25 = arith.constant 0 : i32
        %dma_wait3A_26 = tpu.memref_slice %arg4[%add3A_13, %dma_wait3A_25] : memref<32768x144xf32, #tpu.memory_space<hbm>> -> memref<128x144xf32, #tpu.memory_space<hbm>>
        tpu.wait_dma2 semaphore(%run_scoped3A : memref<!tpu.dma_semaphore, #tpu.memory_space<semaphore_mem>>) src(%arg6 : memref<128x144xf32, #tpu.memory_space<vmem>>) dst(%dma_wait3A_26 : memref<128x144xf32, #tpu.memory_space<hbm>>)
        tpu.yield
      }) : () -> ()
      %scan3A_18 = arith.constant 0 : i32
      scf.yield %scan3A_18 : i32
    }
    %scan3A_6 = arith.constant 8 : i32
    return
  }
}

#map = affine_map<(d0, d1) -> (0, 0)>
#map1 = affine_map<(d0, d1) -> (0)>
module attributes {stable_mosaic.version = 14 : i64} {
  func.func @gk(%arg0: i32, %arg1: i32, %arg2: memref<8192x144xf32, #tpu.memory_space<hbm>>, %arg3: memref<32768xi32, #tpu.memory_space<hbm>>, %arg4: memref<32768x144xf32, #tpu.memory_space<hbm>>, %arg5: memref<128xi32, #tpu.memory_space<vmem>>, %arg6: memref<128x144xf32, #tpu.memory_space<vmem>>, %arg7: memref<!tpu.dma_semaphore, #tpu.memory_space<semaphore_mem>>) attributes {dimension_semantics = [#tpu.dimension_semantics<core_parallel>, #tpu.dimension_semantics<subcore_parallel>], iteration_bounds = array<i64: 2, 16>, scalar_prefetch = 0 : i64, scratch_operands = 3 : i64, tpu.core_type = #tpu.core_type<sc_vector_subcore>, window_params = [{transform_indices = #map}, {transform_indices = #map1}, {transform_indices = #map}]} {
    %mul3A = arith.constant 2 : i32
    %mul3A_0 = arith.muli %arg1, %mul3A : i32
    %add3A = arith.addi %mul3A_0, %arg0 : i32
    %scan3A = arith.constant 0 : i32
    %scan3A_1 = arith.constant 0 : i32
    %scan3A_2 = arith.constant 8 : i32
    %scan3A_3 = arith.addi %scan3A_1, %scan3A_2 : i32
    %scan3A_4 = arith.constant 1 : i32
    %scan3A_5 = scf.for %scan3A_7 = %scan3A_1 to %scan3A_3 step %scan3A_4 iter_args(%scan3A_8 = %scan3A) -> (i32)  : i32 {
      %mul3A_9 = arith.constant 1024 : i32
      %mul3A_10 = arith.muli %add3A, %mul3A_9 : i32
      %mul3A_11 = arith.constant 128 : i32
      %mul3A_12 = arith.muli %scan3A_7, %mul3A_11 : i32
      %add3A_13 = arith.addi %mul3A_10, %mul3A_12 : i32
      "tpu.region"() ({
        %run_scoped3A = tpu.sem_alloc : memref<!tpu.dma_semaphore, #tpu.memory_space<semaphore_mem>>
        %dma_start3A_19 = tpu.memref_slice %arg3[%add3A_13] : memref<32768xi32, #tpu.memory_space<hbm>> -> memref<128xi32, #tpu.memory_space<hbm>>
        %dma_start3A_20 = tpu.memref_slice %arg3[%add3A_13] : memref<32768xi32, #tpu.memory_space<hbm>> -> memref<128xi32, #tpu.memory_space<hbm>>
        tpu.enqueue_dma source(%dma_start3A_20 : memref<128xi32, #tpu.memory_space<hbm>>) target(%arg5 : memref<128xi32, #tpu.memory_space<vmem>>) target_semaphore(%run_scoped3A : memref<!tpu.dma_semaphore, #tpu.memory_space<semaphore_mem>>)
        %dma_wait3A_21 = tpu.memref_slice %arg3[%add3A_13] : memref<32768xi32, #tpu.memory_space<hbm>> -> memref<128xi32, #tpu.memory_space<hbm>>
        %dma_wait3A_22 = tpu.memref_slice %arg3[%add3A_13] : memref<32768xi32, #tpu.memory_space<hbm>> -> memref<128xi32, #tpu.memory_space<hbm>>
        tpu.wait_dma2 semaphore(%run_scoped3A : memref<!tpu.dma_semaphore, #tpu.memory_space<semaphore_mem>>) src(%dma_wait3A_22 : memref<128xi32, #tpu.memory_space<hbm>>) dst(%arg5 : memref<128xi32, #tpu.memory_space<vmem>>)
        tpu.yield
      }) : () -> ()
      %dma_start3A = arith.constant 0 : i32
      %dma_start3A_14 = arith.constant 0 : i32
      %dma_start3A_15 = tpu.memref_slice %arg2[%dma_start3A, %dma_start3A_14] : memref<8192x144xf32, #tpu.memory_space<hbm>> -> memref<8192x144xf32, #tpu.memory_space<hbm>>
      tpu.enqueue_indirect_dma source(%dma_start3A_15 : memref<8192x144xf32, #tpu.memory_space<hbm>>) target(%arg6 : memref<128x144xf32, #tpu.memory_space<vmem>>) offsets(%arg5 : memref<128xi32, #tpu.memory_space<vmem>>) semaphore(%arg7 : memref<!tpu.dma_semaphore, #tpu.memory_space<semaphore_mem>>)
      %dma_wait3A = arith.constant 0 : i32
      %dma_wait3A_16 = arith.constant 0 : i32
      %dma_wait3A_17 = tpu.memref_slice %arg2[%dma_wait3A, %dma_wait3A_16] : memref<8192x144xf32, #tpu.memory_space<hbm>> -> memref<8192x144xf32, #tpu.memory_space<hbm>>
      tpu.wait_indirect_dma semaphore(%arg7 : memref<!tpu.dma_semaphore, #tpu.memory_space<semaphore_mem>>) src(%dma_wait3A_17 : memref<8192x144xf32, #tpu.memory_space<hbm>>) dst(%arg6 : memref<128x144xf32, #tpu.memory_space<vmem>>)
      "tpu.region"() ({
        %run_scoped3A = tpu.sem_alloc : memref<!tpu.dma_semaphore, #tpu.memory_space<semaphore_mem>>
        %dma_start3A_19 = arith.constant 0 : i32
        %dma_start3A_20 = tpu.memref_slice %arg4[%add3A_13, %dma_start3A_19] : memref<32768x144xf32, #tpu.memory_space<hbm>> -> memref<128x144xf32, #tpu.memory_space<hbm>>
        %dma_start3A_21 = arith.constant 0 : i32
        %dma_start3A_22 = tpu.memref_slice %arg4[%add3A_13, %dma_start3A_21] : memref<32768x144xf32, #tpu.memory_space<hbm>> -> memref<128x144xf32, #tpu.memory_space<hbm>>
        tpu.enqueue_dma source(%arg6 : memref<128x144xf32, #tpu.memory_space<vmem>>) target(%dma_start3A_22 : memref<128x144xf32, #tpu.memory_space<hbm>>) target_semaphore(%run_scoped3A : memref<!tpu.dma_semaphore, #tpu.memory_space<semaphore_mem>>)
        %dma_wait3A_23 = arith.constant 0 : i32
        %dma_wait3A_24 = tpu.memref_slice %arg4[%add3A_13, %dma_wait3A_23] : memref<32768x144xf32, #tpu.memory_space<hbm>> -> memref<128x144xf32, #tpu.memory_space<hbm>>
        %dma_wait3A_25 = arith.constant 0 : i32
        %dma_wait3A_26 = tpu.memref_slice %arg4[%add3A_13, %dma_wait3A_25] : memref<32768x144xf32, #tpu.memory_space<hbm>> -> memref<128x144xf32, #tpu.memory_space<hbm>>
        tpu.wait_dma2 semaphore(%run_scoped3A : memref<!tpu.dma_semaphore, #tpu.memory_space<semaphore_mem>>) src(%arg6 : memref<128x144xf32, #tpu.memory_space<vmem>>) dst(%dma_wait3A_26 : memref<128x144xf32, #tpu.memory_space<hbm>>)
        tpu.yield
      }) : () -> ()
      %scan3A_18 = arith.constant 0 : i32
      scf.yield %scan3A_18 : i32
    }
    %scan3A_6 = arith.constant 8 : i32
    return
  }
}

#map = affine_map<(d0, d1) -> (0, 0)>
#map1 = affine_map<(d0, d1) -> (0)>
module attributes {stable_mosaic.version = 14 : i64} {
  func.func @gk(%arg0: i32, %arg1: i32, %arg2: memref<8192x144xf32, #tpu.memory_space<hbm>>, %arg3: memref<32768xi32, #tpu.memory_space<hbm>>, %arg4: memref<32768x144xf32, #tpu.memory_space<hbm>>, %arg5: memref<128xi32, #tpu.memory_space<vmem>>, %arg6: memref<128x144xf32, #tpu.memory_space<vmem>>, %arg7: memref<!tpu.dma_semaphore, #tpu.memory_space<semaphore_mem>>) attributes {dimension_semantics = [#tpu.dimension_semantics<core_parallel>, #tpu.dimension_semantics<subcore_parallel>], iteration_bounds = array<i64: 2, 16>, scalar_prefetch = 0 : i64, scratch_operands = 3 : i64, tpu.core_type = #tpu.core_type<sc_vector_subcore>, window_params = [{transform_indices = #map}, {transform_indices = #map1}, {transform_indices = #map}]} {
    %mul3A = arith.constant 2 : i32
    %mul3A_0 = arith.muli %arg1, %mul3A : i32
    %add3A = arith.addi %mul3A_0, %arg0 : i32
    %scan3A = arith.constant 0 : i32
    %scan3A_1 = arith.constant 0 : i32
    %scan3A_2 = arith.constant 8 : i32
    %scan3A_3 = arith.addi %scan3A_1, %scan3A_2 : i32
    %scan3A_4 = arith.constant 1 : i32
    %scan3A_5 = scf.for %scan3A_7 = %scan3A_1 to %scan3A_3 step %scan3A_4 iter_args(%scan3A_8 = %scan3A) -> (i32)  : i32 {
      %mul3A_9 = arith.constant 1024 : i32
      %mul3A_10 = arith.muli %add3A, %mul3A_9 : i32
      %mul3A_11 = arith.constant 128 : i32
      %mul3A_12 = arith.muli %scan3A_7, %mul3A_11 : i32
      %add3A_13 = arith.addi %mul3A_10, %mul3A_12 : i32
      "tpu.region"() ({
        %run_scoped3A = tpu.sem_alloc : memref<!tpu.dma_semaphore, #tpu.memory_space<semaphore_mem>>
        %dma_start3A_19 = tpu.memref_slice %arg3[%add3A_13] : memref<32768xi32, #tpu.memory_space<hbm>> -> memref<128xi32, #tpu.memory_space<hbm>>
        %dma_start3A_20 = tpu.memref_slice %arg3[%add3A_13] : memref<32768xi32, #tpu.memory_space<hbm>> -> memref<128xi32, #tpu.memory_space<hbm>>
        tpu.enqueue_dma source(%dma_start3A_20 : memref<128xi32, #tpu.memory_space<hbm>>) target(%arg5 : memref<128xi32, #tpu.memory_space<vmem>>) target_semaphore(%run_scoped3A : memref<!tpu.dma_semaphore, #tpu.memory_space<semaphore_mem>>)
        %dma_wait3A_21 = tpu.memref_slice %arg3[%add3A_13] : memref<32768xi32, #tpu.memory_space<hbm>> -> memref<128xi32, #tpu.memory_space<hbm>>
        %dma_wait3A_22 = tpu.memref_slice %arg3[%add3A_13] : memref<32768xi32, #tpu.memory_space<hbm>> -> memref<128xi32, #tpu.memory_space<hbm>>
        tpu.wait_dma2 semaphore(%run_scoped3A : memref<!tpu.dma_semaphore, #tpu.memory_space<semaphore_mem>>) src(%dma_wait3A_22 : memref<128xi32, #tpu.memory_space<hbm>>) dst(%arg5 : memref<128xi32, #tpu.memory_space<vmem>>)
        tpu.yield
      }) : () -> ()
      %dma_start3A = arith.constant 0 : i32
      %dma_start3A_14 = arith.constant 0 : i32
      %dma_start3A_15 = tpu.memref_slice %arg2[%dma_start3A, %dma_start3A_14] : memref<8192x144xf32, #tpu.memory_space<hbm>> -> memref<8192x144xf32, #tpu.memory_space<hbm>>
      tpu.enqueue_indirect_dma source(%dma_start3A_15 : memref<8192x144xf32, #tpu.memory_space<hbm>>) target(%arg6 : memref<128x144xf32, #tpu.memory_space<vmem>>) offsets(%arg5 : memref<128xi32, #tpu.memory_space<vmem>>) semaphore(%arg7 : memref<!tpu.dma_semaphore, #tpu.memory_space<semaphore_mem>>)
      %dma_wait3A = arith.constant 0 : i32
      %dma_wait3A_16 = arith.constant 0 : i32
      %dma_wait3A_17 = tpu.memref_slice %arg2[%dma_wait3A, %dma_wait3A_16] : memref<8192x144xf32, #tpu.memory_space<hbm>> -> memref<8192x144xf32, #tpu.memory_space<hbm>>
      tpu.wait_indirect_dma semaphore(%arg7 : memref<!tpu.dma_semaphore, #tpu.memory_space<semaphore_mem>>) src(%dma_wait3A_17 : memref<8192x144xf32, #tpu.memory_space<hbm>>) dst(%arg6 : memref<128x144xf32, #tpu.memory_space<vmem>>)
      "tpu.region"() ({
        %run_scoped3A = tpu.sem_alloc : memref<!tpu.dma_semaphore, #tpu.memory_space<semaphore_mem>>
        %dma_start3A_19 = arith.constant 0 : i32
        %dma_start3A_20 = tpu.memref_slice %arg4[%add3A_13, %dma_start3A_19] : memref<32768x144xf32, #tpu.memory_space<hbm>> -> memref<128x144xf32, #tpu.memory_space<hbm>>
        %dma_start3A_21 = arith.constant 0 : i32
        %dma_start3A_22 = tpu.memref_slice %arg4[%add3A_13, %dma_start3A_21] : memref<32768x144xf32, #tpu.memory_space<hbm>> -> memref<128x144xf32, #tpu.memory_space<hbm>>
        tpu.enqueue_dma source(%arg6 : memref<128x144xf32, #tpu.memory_space<vmem>>) target(%dma_start3A_22 : memref<128x144xf32, #tpu.memory_space<hbm>>) target_semaphore(%run_scoped3A : memref<!tpu.dma_semaphore, #tpu.memory_space<semaphore_mem>>)
        %dma_wait3A_23 = arith.constant 0 : i32
        %dma_wait3A_24 = tpu.memref_slice %arg4[%add3A_13, %dma_wait3A_23] : memref<32768x144xf32, #tpu.memory_space<hbm>> -> memref<128x144xf32, #tpu.memory_space<hbm>>
        %dma_wait3A_25 = arith.constant 0 : i32
        %dma_wait3A_26 = tpu.memref_slice %arg4[%add3A_13, %dma_wait3A_25] : memref<32768x144xf32, #tpu.memory_space<hbm>> -> memref<128x144xf32, #tpu.memory_space<hbm>>
        tpu.wait_dma2 semaphore(%run_scoped3A : memref<!tpu.dma_semaphore, #tpu.memory_space<semaphore_mem>>) src(%arg6 : memref<128x144xf32, #tpu.memory_space<vmem>>) dst(%dma_wait3A_26 : memref<128x144xf32, #tpu.memory_space<hbm>>)
        tpu.yield
      }) : () -> ()
      %scan3A_18 = arith.constant 0 : i32
      scf.yield %scan3A_18 : i32
    }
    %scan3A_6 = arith.constant 8 : i32
    return
  }
}

#map = affine_map<(d0, d1) -> (0, 0)>
#map1 = affine_map<(d0, d1) -> (0)>
module attributes {stable_mosaic.version = 14 : i64} {
  func.func @gk(%arg0: i32, %arg1: i32, %arg2: memref<8192x144xf32, #tpu.memory_space<hbm>>, %arg3: memref<32768xi32, #tpu.memory_space<hbm>>, %arg4: memref<32768x144xf32, #tpu.memory_space<hbm>>, %arg5: memref<128xi32, #tpu.memory_space<vmem>>, %arg6: memref<128x144xf32, #tpu.memory_space<vmem>>, %arg7: memref<!tpu.dma_semaphore, #tpu.memory_space<semaphore_mem>>) attributes {dimension_semantics = [#tpu.dimension_semantics<core_parallel>, #tpu.dimension_semantics<subcore_parallel>], iteration_bounds = array<i64: 2, 16>, scalar_prefetch = 0 : i64, scratch_operands = 3 : i64, tpu.core_type = #tpu.core_type<sc_vector_subcore>, window_params = [{transform_indices = #map}, {transform_indices = #map1}, {transform_indices = #map}]} {
    %mul3A = arith.constant 2 : i32
    %mul3A_0 = arith.muli %arg1, %mul3A : i32
    %add3A = arith.addi %mul3A_0, %arg0 : i32
    %scan3A = arith.constant 0 : i32
    %scan3A_1 = arith.constant 0 : i32
    %scan3A_2 = arith.constant 8 : i32
    %scan3A_3 = arith.addi %scan3A_1, %scan3A_2 : i32
    %scan3A_4 = arith.constant 1 : i32
    %scan3A_5 = scf.for %scan3A_7 = %scan3A_1 to %scan3A_3 step %scan3A_4 iter_args(%scan3A_8 = %scan3A) -> (i32)  : i32 {
      %mul3A_9 = arith.constant 1024 : i32
      %mul3A_10 = arith.muli %add3A, %mul3A_9 : i32
      %mul3A_11 = arith.constant 128 : i32
      %mul3A_12 = arith.muli %scan3A_7, %mul3A_11 : i32
      %add3A_13 = arith.addi %mul3A_10, %mul3A_12 : i32
      "tpu.region"() ({
        %run_scoped3A = tpu.sem_alloc : memref<!tpu.dma_semaphore, #tpu.memory_space<semaphore_mem>>
        %dma_start3A_19 = tpu.memref_slice %arg3[%add3A_13] : memref<32768xi32, #tpu.memory_space<hbm>> -> memref<128xi32, #tpu.memory_space<hbm>>
        %dma_start3A_20 = tpu.memref_slice %arg3[%add3A_13] : memref<32768xi32, #tpu.memory_space<hbm>> -> memref<128xi32, #tpu.memory_space<hbm>>
        tpu.enqueue_dma source(%dma_start3A_20 : memref<128xi32, #tpu.memory_space<hbm>>) target(%arg5 : memref<128xi32, #tpu.memory_space<vmem>>) target_semaphore(%run_scoped3A : memref<!tpu.dma_semaphore, #tpu.memory_space<semaphore_mem>>)
        %dma_wait3A_21 = tpu.memref_slice %arg3[%add3A_13] : memref<32768xi32, #tpu.memory_space<hbm>> -> memref<128xi32, #tpu.memory_space<hbm>>
        %dma_wait3A_22 = tpu.memref_slice %arg3[%add3A_13] : memref<32768xi32, #tpu.memory_space<hbm>> -> memref<128xi32, #tpu.memory_space<hbm>>
        tpu.wait_dma2 semaphore(%run_scoped3A : memref<!tpu.dma_semaphore, #tpu.memory_space<semaphore_mem>>) src(%dma_wait3A_22 : memref<128xi32, #tpu.memory_space<hbm>>) dst(%arg5 : memref<128xi32, #tpu.memory_space<vmem>>)
        tpu.yield
      }) : () -> ()
      %dma_start3A = arith.constant 0 : i32
      %dma_start3A_14 = arith.constant 0 : i32
      %dma_start3A_15 = tpu.memref_slice %arg2[%dma_start3A, %dma_start3A_14] : memref<8192x144xf32, #tpu.memory_space<hbm>> -> memref<8192x144xf32, #tpu.memory_space<hbm>>
      tpu.enqueue_indirect_dma source(%dma_start3A_15 : memref<8192x144xf32, #tpu.memory_space<hbm>>) target(%arg6 : memref<128x144xf32, #tpu.memory_space<vmem>>) offsets(%arg5 : memref<128xi32, #tpu.memory_space<vmem>>) semaphore(%arg7 : memref<!tpu.dma_semaphore, #tpu.memory_space<semaphore_mem>>)
      %dma_wait3A = arith.constant 0 : i32
      %dma_wait3A_16 = arith.constant 0 : i32
      %dma_wait3A_17 = tpu.memref_slice %arg2[%dma_wait3A, %dma_wait3A_16] : memref<8192x144xf32, #tpu.memory_space<hbm>> -> memref<8192x144xf32, #tpu.memory_space<hbm>>
      tpu.wait_indirect_dma semaphore(%arg7 : memref<!tpu.dma_semaphore, #tpu.memory_space<semaphore_mem>>) src(%dma_wait3A_17 : memref<8192x144xf32, #tpu.memory_space<hbm>>) dst(%arg6 : memref<128x144xf32, #tpu.memory_space<vmem>>)
      "tpu.region"() ({
        %run_scoped3A = tpu.sem_alloc : memref<!tpu.dma_semaphore, #tpu.memory_space<semaphore_mem>>
        %dma_start3A_19 = arith.constant 0 : i32
        %dma_start3A_20 = tpu.memref_slice %arg4[%add3A_13, %dma_start3A_19] : memref<32768x144xf32, #tpu.memory_space<hbm>> -> memref<128x144xf32, #tpu.memory_space<hbm>>
        %dma_start3A_21 = arith.constant 0 : i32
        %dma_start3A_22 = tpu.memref_slice %arg4[%add3A_13, %dma_start3A_21] : memref<32768x144xf32, #tpu.memory_space<hbm>> -> memref<128x144xf32, #tpu.memory_space<hbm>>
        tpu.enqueue_dma source(%arg6 : memref<128x144xf32, #tpu.memory_space<vmem>>) target(%dma_start3A_22 : memref<128x144xf32, #tpu.memory_space<hbm>>) target_semaphore(%run_scoped3A : memref<!tpu.dma_semaphore, #tpu.memory_space<semaphore_mem>>)
        %dma_wait3A_23 = arith.constant 0 : i32
        %dma_wait3A_24 = tpu.memref_slice %arg4[%add3A_13, %dma_wait3A_23] : memref<32768x144xf32, #tpu.memory_space<hbm>> -> memref<128x144xf32, #tpu.memory_space<hbm>>
        %dma_wait3A_25 = arith.constant 0 : i32
        %dma_wait3A_26 = tpu.memref_slice %arg4[%add3A_13, %dma_wait3A_25] : memref<32768x144xf32, #tpu.memory_space<hbm>> -> memref<128x144xf32, #tpu.memory_space<hbm>>
        tpu.wait_dma2 semaphore(%run_scoped3A : memref<!tpu.dma_semaphore, #tpu.memory_space<semaphore_mem>>) src(%arg6 : memref<128x144xf32, #tpu.memory_space<vmem>>) dst(%dma_wait3A_26 : memref<128x144xf32, #tpu.memory_space<hbm>>)
        tpu.yield
      }) : () -> ()
      %scan3A_18 = arith.constant 0 : i32
      scf.yield %scan3A_18 : i32
    }
    %scan3A_6 = arith.constant 8 : i32
    return
  }
}

module attributes {stable_mosaic.version = 14 : i64} {
  func.func @_knn_body(%arg0: i32, %arg1: i32, %arg2: memref<1x1024x16xf32, #tpu.memory_space<vmem>>, %arg3: memref<1x2048x16xf32, #tpu.memory_space<vmem>>, %arg4: memref<1x1024x16xi32, #tpu.memory_space<vmem>>) attributes {dimension_semantics = [#tpu.dimension_semantics<arbitrary>, #tpu.dimension_semantics<arbitrary>], iteration_bounds = array<i64: 1, 2>, scalar_prefetch = 0 : i64, scratch_operands = 0 : i64, tpu.core_type = #tpu.core_type<tc>, window_params = [{transform_indices = @transform_0, window_bounds = array<i64: 1, 1024, 16>}, {transform_indices = @transform_1, window_bounds = array<i64: 1, 2048, 16>}, {transform_indices = @transform_2, window_bounds = array<i64: 1, 1024, 16>}]} {
    %get3A = arith.constant 0 : index
    %get3A_0 = arith.constant 0 : index
    %get3A_1 = arith.constant 0 : index
    %get3A_2 = vector.load %arg2[%get3A, %get3A_0, %get3A_1] : memref<1x1024x16xf32, #tpu.memory_space<vmem>>, vector<1x1024x16xf32>
    %get3A_3 = vector.shape_cast %get3A_2 : vector<1x1024x16xf32> to vector<1024x16xf32>
    %get3A_4 = arith.constant 0 : index
    %get3A_5 = arith.constant 0 : index
    %get3A_6 = arith.constant 0 : index
    %get3A_7 = vector.load %arg3[%get3A_4, %get3A_5, %get3A_6] : memref<1x2048x16xf32, #tpu.memory_space<vmem>>, vector<1x2048x16xf32>
    %get3A_8 = vector.shape_cast %get3A_7 : vector<1x2048x16xf32> to vector<2048x16xf32>
    %mul3A = arith.mulf %get3A_3, %get3A_3 : vector<1024x16xf32>
    %reduce_sum3A = arith.constant dense<0.000000e+00> : vector<1024xf32>
    %reduce_sum3A_9 = vector.multi_reduction <add>, %mul3A, %reduce_sum3A [1] : vector<1024x16xf32> to vector<1024xf32>
    %broadcast_in_dim3A = vector.shape_cast %reduce_sum3A_9 : vector<1024xf32> to vector<1024x1xf32>
    %broadcast_in_dim3A_10 = arith.constant 1.000000e+00 : f32
    %broadcast_in_dim3A_11 = vector.broadcast %broadcast_in_dim3A_10 : f32 to vector<1x16xf32>
    %mul3A_12 = arith.mulf %get3A_8, %get3A_8 : vector<2048x16xf32>
    %dot_general3A = arith.constant dense<0.000000e+00> : vector<1x2048xf32>
    %dot_general3A_13 = tpu.matmul %broadcast_in_dim3A_11, %mul3A_12, %dot_general3A {dimension_numbers = #tpu.dot_dimension_numbers<[1], [1], [0], [0], [0, 0, 1, 0], [], []>, transpose_lhs_hint = false} : vector<1x16xf32>, vector<2048x16xf32>, vector<1x2048xf32> -> vector<1x2048xf32>
    %dot_general3A_14 = arith.constant dense<0.000000e+00> : vector<1024x2048xf32>
    %dot_general3A_15 = tpu.matmul %get3A_3, %get3A_8, %dot_general3A_14 {dimension_numbers = #tpu.dot_dimension_numbers<[1], [1], [0], [0], [0, 0, 1, 0], [], []>, transpose_lhs_hint = false} : vector<1024x16xf32>, vector<2048x16xf32>, vector<1024x2048xf32> -> vector<1024x2048xf32>
    %add3A = vector.broadcast %broadcast_in_dim3A : vector<1024x1xf32> to vector<1024x2048xf32>
    %add3A_16 = vector.broadcast %dot_general3A_13 : vector<1x2048xf32> to vector<1024x2048xf32>
    %add3A_17 = arith.addf %add3A, %add3A_16 : vector<1024x2048xf32>
    %mul3A_18 = arith.constant 2.000000e+00 : f32
    %mul3A_19 = vector.broadcast %mul3A_18 : f32 to vector<1024x2048xf32>
    %mul3A_20 = arith.mulf %mul3A_19, %dot_general3A_15 : vector<1024x2048xf32>
    %sub3A = arith.subf %add3A_17, %mul3A_20 : vector<1024x2048xf32>
    %bitcast_convert_type3A = tpu.bitcast %sub3A : vector<1024x2048xf32> -> vector<1024x2048xi32>
    %shift_right_arithmetic3A = arith.constant 31 : i32
    %shift_right_arithmetic3A_21 = vector.broadcast %shift_right_arithmetic3A : i32 to vector<1024x2048xi32>
    %shift_right_arithmetic3A_22 = arith.shrsi %bitcast_convert_type3A, %shift_right_arithmetic3A_21 : vector<1024x2048xi32>
    %and3A = arith.constant 2147483647 : i32
    %and3A_23 = vector.broadcast %and3A : i32 to vector<1024x2048xi32>
    %and3A_24 = arith.andi %shift_right_arithmetic3A_22, %and3A_23 : vector<1024x2048xi32>
    %xor3A = arith.xori %bitcast_convert_type3A, %and3A_24 : vector<1024x2048xi32>
    %iota3A = tpu.iota {dimensions = array<i32: 1>} : vector<1024x2048xi32>
    %and3A_25 = arith.constant -2048 : i32
    %and3A_26 = vector.broadcast %and3A_25 : i32 to vector<1024x2048xi32>
    %and3A_27 = arith.andi %xor3A, %and3A_26 : vector<1024x2048xi32>
    %or3A = arith.ori %and3A_27, %iota3A : vector<1024x2048xi32>
    %iota3A_28 = tpu.iota {dimensions = array<i32: 1>} : vector<1024x16xi32>
    %slice3A = vector.extract_strided_slice %or3A {offsets = [0, 0], sizes = [1024, 512], strides = [1, 1]} : vector<1024x2048xi32> to vector<1024x512xi32>
    %slice3A_29 = vector.extract_strided_slice %or3A {offsets = [0, 512], sizes = [1024, 512], strides = [1, 1]} : vector<1024x2048xi32> to vector<1024x512xi32>
    %slice3A_30 = vector.extract_strided_slice %or3A {offsets = [0, 1024], sizes = [1024, 512], strides = [1, 1]} : vector<1024x2048xi32> to vector<1024x512xi32>
    %slice3A_31 = vector.extract_strided_slice %or3A {offsets = [0, 1536], sizes = [1024, 512], strides = [1, 1]} : vector<1024x2048xi32> to vector<1024x512xi32>
    %min3A = arith.minsi %slice3A, %slice3A_29 : vector<1024x512xi32>
    %max3A = arith.maxsi %slice3A, %slice3A_29 : vector<1024x512xi32>
    %min3A_32 = arith.minsi %slice3A_30, %slice3A_31 : vector<1024x512xi32>
    %max3A_33 = arith.maxsi %slice3A_30, %slice3A_31 : vector<1024x512xi32>
    %min3A_34 = arith.minsi %min3A, %min3A_32 : vector<1024x512xi32>
    %max3A_35 = arith.maxsi %min3A, %min3A_32 : vector<1024x512xi32>
    %min3A_36 = arith.minsi %max3A, %max3A_33 : vector<1024x512xi32>
    %max3A_37 = arith.maxsi %max3A, %max3A_33 : vector<1024x512xi32>
    %min3A_38 = arith.minsi %min3A_36, %max3A_35 : vector<1024x512xi32>
    %max3A_39 = arith.maxsi %min3A_36, %max3A_35 : vector<1024x512xi32>
    %broadcast_in_dim3A_40 = arith.constant 0 : i32
    %broadcast_in_dim3A_41 = vector.broadcast %broadcast_in_dim3A_40 : i32 to vector<1024x16xi32>
    %reduce_min3A = arith.constant dense<2147483647> : vector<1024xi32>
    %reduce_min3A_42 = vector.multi_reduction <minsi>, %min3A_34, %reduce_min3A [1] : vector<1024x512xi32> to vector<1024xi32>
    %broadcast_in_dim3A_43 = vector.shape_cast %reduce_min3A_42 : vector<1024xi32> to vector<1024x1xi32>
    %eq3A = arith.constant 0 : i32
    %eq3A_44 = vector.broadcast %eq3A : i32 to vector<1024x16xi32>
    %eq3A_45 = arith.cmpi eq, %iota3A_28, %eq3A_44 : vector<1024x16xi32>
    %and3A_46 = arith.constant 2047 : i32
    %and3A_47 = vector.broadcast %and3A_46 : i32 to vector<1024x1xi32>
    %and3A_48 = arith.andi %broadcast_in_dim3A_43, %and3A_47 : vector<1024x1xi32>
    %broadcast_in_dim3A_49 = vector.shape_cast %and3A_48 : vector<1024x1xi32> to vector<1024x1xi32>
    %broadcast_in_dim3A_50 = vector.broadcast %broadcast_in_dim3A_49 : vector<1024x1xi32> to vector<1024x16xi32>
    %select_n3A = arith.select %eq3A_45, %broadcast_in_dim3A_50, %broadcast_in_dim3A_41 : vector<1024x16xi1>, vector<1024x16xi32>
    %eq3A_51 = vector.broadcast %broadcast_in_dim3A_43 : vector<1024x1xi32> to vector<1024x512xi32>
    %eq3A_52 = arith.cmpi eq, %min3A_34, %eq3A_51 : vector<1024x512xi32>
    %select_n3A_53 = arith.select %eq3A_52, %min3A_38, %min3A_34 : vector<1024x512xi1>, vector<1024x512xi32>
    %select_n3A_54 = arith.select %eq3A_52, %max3A_39, %min3A_38 : vector<1024x512xi1>, vector<1024x512xi32>
    %select_n3A_55 = arith.select %eq3A_52, %max3A_37, %max3A_39 : vector<1024x512xi1>, vector<1024x512xi32>
    %jit3A = arith.constant 2147483647 : i32
    %broadcast_in_dim3A_56 = vector.broadcast %jit3A : i32 to vector<1024x512xi32>
    %select_n3A_57 = arith.select %eq3A_52, %broadcast_in_dim3A_56, %max3A_37 : vector<1024x512xi1>, vector<1024x512xi32>
    %reduce_min3A_58 = arith.constant dense<2147483647> : vector<1024xi32>
    %reduce_min3A_59 = vector.multi_reduction <minsi>, %select_n3A_53, %reduce_min3A_58 [1] : vector<1024x512xi32> to vector<1024xi32>
    %broadcast_in_dim3A_60 = vector.shape_cast %reduce_min3A_59 : vector<1024xi32> to vector<1024x1xi32>
    %eq3A_61 = arith.constant 1 : i32
    %eq3A_62 = vector.broadcast %eq3A_61 : i32 to vector<1024x16xi32>
    %eq3A_63 = arith.cmpi eq, %iota3A_28, %eq3A_62 : vector<1024x16xi32>
    %and3A_64 = arith.constant 2047 : i32
    %and3A_65 = vector.broadcast %and3A_64 : i32 to vector<1024x1xi32>
    %and3A_66 = arith.andi %broadcast_in_dim3A_60, %and3A_65 : vector<1024x1xi32>
    %broadcast_in_dim3A_67 = vector.shape_cast %and3A_66 : vector<1024x1xi32> to vector<1024x1xi32>
    %broadcast_in_dim3A_68 = vector.broadcast %broadcast_in_dim3A_67 : vector<1024x1xi32> to vector<1024x16xi32>
    %select_n3A_69 = arith.select %eq3A_63, %broadcast_in_dim3A_68, %select_n3A : vector<1024x16xi1>, vector<1024x16xi32>
    %eq3A_70 = vector.broadcast %broadcast_in_dim3A_60 : vector<1024x1xi32> to vector<1024x512xi32>
    %eq3A_71 = arith.cmpi eq, %select_n3A_53, %eq3A_70 : vector<1024x512xi32>
    %select_n3A_72 = arith.select %eq3A_71, %select_n3A_54, %select_n3A_53 : vector<1024x512xi1>, vector<1024x512xi32>
    %select_n3A_73 = arith.select %eq3A_71, %select_n3A_55, %select_n3A_54 : vector<1024x512xi1>, vector<1024x512xi32>
    %select_n3A_74 = arith.select %eq3A_71, %select_n3A_57, %select_n3A_55 : vector<1024x512xi1>, vector<1024x512xi32>
    %jit3A_75 = arith.constant 2147483647 : i32
    %broadcast_in_dim3A_76 = vector.broadcast %jit3A_75 : i32 to vector<1024x512xi32>
    %select_n3A_77 = arith.select %eq3A_71, %broadcast_in_dim3A_76, %select_n3A_57 : vector<1024x512xi1>, vector<1024x512xi32>
    %reduce_min3A_78 = arith.constant dense<2147483647> : vector<1024xi32>
    %reduce_min3A_79 = vector.multi_reduction <minsi>, %select_n3A_72, %reduce_min3A_78 [1] : vector<1024x512xi32> to vector<1024xi32>
    %broadcast_in_dim3A_80 = vector.shape_cast %reduce_min3A_79 : vector<1024xi32> to vector<1024x1xi32>
    %eq3A_81 = arith.constant 2 : i32
    %eq3A_82 = vector.broadcast %eq3A_81 : i32 to vector<1024x16xi32>
    %eq3A_83 = arith.cmpi eq, %iota3A_28, %eq3A_82 : vector<1024x16xi32>
    %and3A_84 = arith.constant 2047 : i32
    %and3A_85 = vector.broadcast %and3A_84 : i32 to vector<1024x1xi32>
    %and3A_86 = arith.andi %broadcast_in_dim3A_80, %and3A_85 : vector<1024x1xi32>
    %broadcast_in_dim3A_87 = vector.shape_cast %and3A_86 : vector<1024x1xi32> to vector<1024x1xi32>
    %broadcast_in_dim3A_88 = vector.broadcast %broadcast_in_dim3A_87 : vector<1024x1xi32> to vector<1024x16xi32>
    %select_n3A_89 = arith.select %eq3A_83, %broadcast_in_dim3A_88, %select_n3A_69 : vector<1024x16xi1>, vector<1024x16xi32>
    %eq3A_90 = vector.broadcast %broadcast_in_dim3A_80 : vector<1024x1xi32> to vector<1024x512xi32>
    %eq3A_91 = arith.cmpi eq, %select_n3A_72, %eq3A_90 : vector<1024x512xi32>
    %select_n3A_92 = arith.select %eq3A_91, %select_n3A_73, %select_n3A_72 : vector<1024x512xi1>, vector<1024x512xi32>
    %select_n3A_93 = arith.select %eq3A_91, %select_n3A_74, %select_n3A_73 : vector<1024x512xi1>, vector<1024x512xi32>
    %select_n3A_94 = arith.select %eq3A_91, %select_n3A_77, %select_n3A_74 : vector<1024x512xi1>, vector<1024x512xi32>
    %jit3A_95 = arith.constant 2147483647 : i32
    %broadcast_in_dim3A_96 = vector.broadcast %jit3A_95 : i32 to vector<1024x512xi32>
    %select_n3A_97 = arith.select %eq3A_91, %broadcast_in_dim3A_96, %select_n3A_77 : vector<1024x512xi1>, vector<1024x512xi32>
    %reduce_min3A_98 = arith.constant dense<2147483647> : vector<1024xi32>
    %reduce_min3A_99 = vector.multi_reduction <minsi>, %select_n3A_92, %reduce_min3A_98 [1] : vector<1024x512xi32> to vector<1024xi32>
    %broadcast_in_dim3A_100 = vector.shape_cast %reduce_min3A_99 : vector<1024xi32> to vector<1024x1xi32>
    %eq3A_101 = arith.constant 3 : i32
    %eq3A_102 = vector.broadcast %eq3A_101 : i32 to vector<1024x16xi32>
    %eq3A_103 = arith.cmpi eq, %iota3A_28, %eq3A_102 : vector<1024x16xi32>
    %and3A_104 = arith.constant 2047 : i32
    %and3A_105 = vector.broadcast %and3A_104 : i32 to vector<1024x1xi32>
    %and3A_106 = arith.andi %broadcast_in_dim3A_100, %and3A_105 : vector<1024x1xi32>
    %broadcast_in_dim3A_107 = vector.shape_cast %and3A_106 : vector<1024x1xi32> to vector<1024x1xi32>
    %broadcast_in_dim3A_108 = vector.broadcast %broadcast_in_dim3A_107 : vector<1024x1xi32> to vector<1024x16xi32>
    %select_n3A_109 = arith.select %eq3A_103, %broadcast_in_dim3A_108, %select_n3A_89 : vector<1024x16xi1>, vector<1024x16xi32>
    %eq3A_110 = vector.broadcast %broadcast_in_dim3A_100 : vector<1024x1xi32> to vector<1024x512xi32>
    %eq3A_111 = arith.cmpi eq, %select_n3A_92, %eq3A_110 : vector<1024x512xi32>
    %select_n3A_112 = arith.select %eq3A_111, %select_n3A_93, %select_n3A_92 : vector<1024x512xi1>, vector<1024x512xi32>
    %select_n3A_113 = arith.select %eq3A_111, %select_n3A_94, %select_n3A_93 : vector<1024x512xi1>, vector<1024x512xi32>
    %select_n3A_114 = arith.select %eq3A_111, %select_n3A_97, %select_n3A_94 : vector<1024x512xi1>, vector<1024x512xi32>
    %jit3A_115 = arith.constant 2147483647 : i32
    %broadcast_in_dim3A_116 = vector.broadcast %jit3A_115 : i32 to vector<1024x512xi32>
    %select_n3A_117 = arith.select %eq3A_111, %broadcast_in_dim3A_116, %select_n3A_97 : vector<1024x512xi1>, vector<1024x512xi32>
    %reduce_min3A_118 = arith.constant dense<2147483647> : vector<1024xi32>
    %reduce_min3A_119 = vector.multi_reduction <minsi>, %select_n3A_112, %reduce_min3A_118 [1] : vector<1024x512xi32> to vector<1024xi32>
    %broadcast_in_dim3A_120 = vector.shape_cast %reduce_min3A_119 : vector<1024xi32> to vector<1024x1xi32>
    %eq3A_121 = arith.constant 4 : i32
    %eq3A_122 = vector.broadcast %eq3A_121 : i32 to vector<1024x16xi32>
    %eq3A_123 = arith.cmpi eq, %iota3A_28, %eq3A_122 : vector<1024x16xi32>
    %and3A_124 = arith.constant 2047 : i32
    %and3A_125 = vector.broadcast %and3A_124 : i32 to vector<1024x1xi32>
    %and3A_126 = arith.andi %broadcast_in_dim3A_120, %and3A_125 : vector<1024x1xi32>
    %broadcast_in_dim3A_127 = vector.shape_cast %and3A_126 : vector<1024x1xi32> to vector<1024x1xi32>
    %broadcast_in_dim3A_128 = vector.broadcast %broadcast_in_dim3A_127 : vector<1024x1xi32> to vector<1024x16xi32>
    %select_n3A_129 = arith.select %eq3A_123, %broadcast_in_dim3A_128, %select_n3A_109 : vector<1024x16xi1>, vector<1024x16xi32>
    %eq3A_130 = vector.broadcast %broadcast_in_dim3A_120 : vector<1024x1xi32> to vector<1024x512xi32>
    %eq3A_131 = arith.cmpi eq, %select_n3A_112, %eq3A_130 : vector<1024x512xi32>
    %select_n3A_132 = arith.select %eq3A_131, %select_n3A_113, %select_n3A_112 : vector<1024x512xi1>, vector<1024x512xi32>
    %select_n3A_133 = arith.select %eq3A_131, %select_n3A_114, %select_n3A_113 : vector<1024x512xi1>, vector<1024x512xi32>
    %select_n3A_134 = arith.select %eq3A_131, %select_n3A_117, %select_n3A_114 : vector<1024x512xi1>, vector<1024x512xi32>
    %jit3A_135 = arith.constant 2147483647 : i32
    %broadcast_in_dim3A_136 = vector.broadcast %jit3A_135 : i32 to vector<1024x512xi32>
    %select_n3A_137 = arith.select %eq3A_131, %broadcast_in_dim3A_136, %select_n3A_117 : vector<1024x512xi1>, vector<1024x512xi32>
    %reduce_min3A_138 = arith.constant dense<2147483647> : vector<1024xi32>
    %reduce_min3A_139 = vector.multi_reduction <minsi>, %select_n3A_132, %reduce_min3A_138 [1] : vector<1024x512xi32> to vector<1024xi32>
    %broadcast_in_dim3A_140 = vector.shape_cast %reduce_min3A_139 : vector<1024xi32> to vector<1024x1xi32>
    %eq3A_141 = arith.constant 5 : i32
    %eq3A_142 = vector.broadcast %eq3A_141 : i32 to vector<1024x16xi32>
    %eq3A_143 = arith.cmpi eq, %iota3A_28, %eq3A_142 : vector<1024x16xi32>
    %and3A_144 = arith.constant 2047 : i32
    %and3A_145 = vector.broadcast %and3A_144 : i32 to vector<1024x1xi32>
    %and3A_146 = arith.andi %broadcast_in_dim3A_140, %and3A_145 : vector<1024x1xi32>
    %broadcast_in_dim3A_147 = vector.shape_cast %and3A_146 : vector<1024x1xi32> to vector<1024x1xi32>
    %broadcast_in_dim3A_148 = vector.broadcast %broadcast_in_dim3A_147 : vector<1024x1xi32> to vector<1024x16xi32>
    %select_n3A_149 = arith.select %eq3A_143, %broadcast_in_dim3A_148, %select_n3A_129 : vector<1024x16xi1>, vector<1024x16xi32>
    %eq3A_150 = vector.broadcast %broadcast_in_dim3A_140 : vector<1024x1xi32> to vector<1024x512xi32>
    %eq3A_151 = arith.cmpi eq, %select_n3A_132, %eq3A_150 : vector<1024x512xi32>
    %select_n3A_152 = arith.select %eq3A_151, %select_n3A_133, %select_n3A_132 : vector<1024x512xi1>, vector<1024x512xi32>
    %select_n3A_153 = arith.select %eq3A_151, %select_n3A_134, %select_n3A_133 : vector<1024x512xi1>, vector<1024x512xi32>
    %select_n3A_154 = arith.select %eq3A_151, %select_n3A_137, %select_n3A_134 : vector<1024x512xi1>, vector<1024x512xi32>
    %jit3A_155 = arith.constant 2147483647 : i32
    %broadcast_in_dim3A_156 = vector.broadcast %jit3A_155 : i32 to vector<1024x512xi32>
    %select_n3A_157 = arith.select %eq3A_151, %broadcast_in_dim3A_156, %select_n3A_137 : vector<1024x512xi1>, vector<1024x512xi32>
    %reduce_min3A_158 = arith.constant dense<2147483647> : vector<1024xi32>
    %reduce_min3A_159 = vector.multi_reduction <minsi>, %select_n3A_152, %reduce_min3A_158 [1] : vector<1024x512xi32> to vector<1024xi32>
    %broadcast_in_dim3A_160 = vector.shape_cast %reduce_min3A_159 : vector<1024xi32> to vector<1024x1xi32>
    %eq3A_161 = arith.constant 6 : i32
    %eq3A_162 = vector.broadcast %eq3A_161 : i32 to vector<1024x16xi32>
    %eq3A_163 = arith.cmpi eq, %iota3A_28, %eq3A_162 : vector<1024x16xi32>
    %and3A_164 = arith.constant 2047 : i32
    %and3A_165 = vector.broadcast %and3A_164 : i32 to vector<1024x1xi32>
    %and3A_166 = arith.andi %broadcast_in_dim3A_160, %and3A_165 : vector<1024x1xi32>
    %broadcast_in_dim3A_167 = vector.shape_cast %and3A_166 : vector<1024x1xi32> to vector<1024x1xi32>
    %broadcast_in_dim3A_168 = vector.broadcast %broadcast_in_dim3A_167 : vector<1024x1xi32> to vector<1024x16xi32>
    %select_n3A_169 = arith.select %eq3A_163, %broadcast_in_dim3A_168, %select_n3A_149 : vector<1024x16xi1>, vector<1024x16xi32>
    %eq3A_170 = vector.broadcast %broadcast_in_dim3A_160 : vector<1024x1xi32> to vector<1024x512xi32>
    %eq3A_171 = arith.cmpi eq, %select_n3A_152, %eq3A_170 : vector<1024x512xi32>
    %select_n3A_172 = arith.select %eq3A_171, %select_n3A_153, %select_n3A_152 : vector<1024x512xi1>, vector<1024x512xi32>
    %select_n3A_173 = arith.select %eq3A_171, %select_n3A_154, %select_n3A_153 : vector<1024x512xi1>, vector<1024x512xi32>
    %select_n3A_174 = arith.select %eq3A_171, %select_n3A_157, %select_n3A_154 : vector<1024x512xi1>, vector<1024x512xi32>
    %jit3A_175 = arith.constant 2147483647 : i32
    %broadcast_in_dim3A_176 = vector.broadcast %jit3A_175 : i32 to vector<1024x512xi32>
    %select_n3A_177 = arith.select %eq3A_171, %broadcast_in_dim3A_176, %select_n3A_157 : vector<1024x512xi1>, vector<1024x512xi32>
    %reduce_min3A_178 = arith.constant dense<2147483647> : vector<1024xi32>
    %reduce_min3A_179 = vector.multi_reduction <minsi>, %select_n3A_172, %reduce_min3A_178 [1] : vector<1024x512xi32> to vector<1024xi32>
    %broadcast_in_dim3A_180 = vector.shape_cast %reduce_min3A_179 : vector<1024xi32> to vector<1024x1xi32>
    %eq3A_181 = arith.constant 7 : i32
    %eq3A_182 = vector.broadcast %eq3A_181 : i32 to vector<1024x16xi32>
    %eq3A_183 = arith.cmpi eq, %iota3A_28, %eq3A_182 : vector<1024x16xi32>
    %and3A_184 = arith.constant 2047 : i32
    %and3A_185 = vector.broadcast %and3A_184 : i32 to vector<1024x1xi32>
    %and3A_186 = arith.andi %broadcast_in_dim3A_180, %and3A_185 : vector<1024x1xi32>
    %broadcast_in_dim3A_187 = vector.shape_cast %and3A_186 : vector<1024x1xi32> to vector<1024x1xi32>
    %broadcast_in_dim3A_188 = vector.broadcast %broadcast_in_dim3A_187 : vector<1024x1xi32> to vector<1024x16xi32>
    %select_n3A_189 = arith.select %eq3A_183, %broadcast_in_dim3A_188, %select_n3A_169 : vector<1024x16xi1>, vector<1024x16xi32>
    %eq3A_190 = vector.broadcast %broadcast_in_dim3A_180 : vector<1024x1xi32> to vector<1024x512xi32>
    %eq3A_191 = arith.cmpi eq, %select_n3A_172, %eq3A_190 : vector<1024x512xi32>
    %select_n3A_192 = arith.select %eq3A_191, %select_n3A_173, %select_n3A_172 : vector<1024x512xi1>, vector<1024x512xi32>
    %select_n3A_193 = arith.select %eq3A_191, %select_n3A_174, %select_n3A_173 : vector<1024x512xi1>, vector<1024x512xi32>
    %select_n3A_194 = arith.select %eq3A_191, %select_n3A_177, %select_n3A_174 : vector<1024x512xi1>, vector<1024x512xi32>
    %jit3A_195 = arith.constant 2147483647 : i32
    %broadcast_in_dim3A_196 = vector.broadcast %jit3A_195 : i32 to vector<1024x512xi32>
    %select_n3A_197 = arith.select %eq3A_191, %broadcast_in_dim3A_196, %select_n3A_177 : vector<1024x512xi1>, vector<1024x512xi32>
    %reduce_min3A_198 = arith.constant dense<2147483647> : vector<1024xi32>
    %reduce_min3A_199 = vector.multi_reduction <minsi>, %select_n3A_192, %reduce_min3A_198 [1] : vector<1024x512xi32> to vector<1024xi32>
    %broadcast_in_dim3A_200 = vector.shape_cast %reduce_min3A_199 : vector<1024xi32> to vector<1024x1xi32>
    %eq3A_201 = arith.constant 8 : i32
    %eq3A_202 = vector.broadcast %eq3A_201 : i32 to vector<1024x16xi32>
    %eq3A_203 = arith.cmpi eq, %iota3A_28, %eq3A_202 : vector<1024x16xi32>
    %and3A_204 = arith.constant 2047 : i32
    %and3A_205 = vector.broadcast %and3A_204 : i32 to vector<1024x1xi32>
    %and3A_206 = arith.andi %broadcast_in_dim3A_200, %and3A_205 : vector<1024x1xi32>
    %broadcast_in_dim3A_207 = vector.shape_cast %and3A_206 : vector<1024x1xi32> to vector<1024x1xi32>
    %broadcast_in_dim3A_208 = vector.broadcast %broadcast_in_dim3A_207 : vector<1024x1xi32> to vector<1024x16xi32>
    %select_n3A_209 = arith.select %eq3A_203, %broadcast_in_dim3A_208, %select_n3A_189 : vector<1024x16xi1>, vector<1024x16xi32>
    %eq3A_210 = vector.broadcast %broadcast_in_dim3A_200 : vector<1024x1xi32> to vector<1024x512xi32>
    %eq3A_211 = arith.cmpi eq, %select_n3A_192, %eq3A_210 : vector<1024x512xi32>
    %select_n3A_212 = arith.select %eq3A_211, %select_n3A_193, %select_n3A_192 : vector<1024x512xi1>, vector<1024x512xi32>
    %select_n3A_213 = arith.select %eq3A_211, %select_n3A_194, %select_n3A_193 : vector<1024x512xi1>, vector<1024x512xi32>
    %select_n3A_214 = arith.select %eq3A_211, %select_n3A_197, %select_n3A_194 : vector<1024x512xi1>, vector<1024x512xi32>
    %jit3A_215 = arith.constant 2147483647 : i32
    %broadcast_in_dim3A_216 = vector.broadcast %jit3A_215 : i32 to vector<1024x512xi32>
    %select_n3A_217 = arith.select %eq3A_211, %broadcast_in_dim3A_216, %select_n3A_197 : vector<1024x512xi1>, vector<1024x512xi32>
    %reduce_min3A_218 = arith.constant dense<2147483647> : vector<1024xi32>
    %reduce_min3A_219 = vector.multi_reduction <minsi>, %select_n3A_212, %reduce_min3A_218 [1] : vector<1024x512xi32> to vector<1024xi32>
    %broadcast_in_dim3A_220 = vector.shape_cast %reduce_min3A_219 : vector<1024xi32> to vector<1024x1xi32>
    %eq3A_221 = arith.constant 9 : i32
    %eq3A_222 = vector.broadcast %eq3A_221 : i32 to vector<1024x16xi32>
    %eq3A_223 = arith.cmpi eq, %iota3A_28, %eq3A_222 : vector<1024x16xi32>
    %and3A_224 = arith.constant 2047 : i32
    %and3A_225 = vector.broadcast %and3A_224 : i32 to vector<1024x1xi32>
    %and3A_226 = arith.andi %broadcast_in_dim3A_220, %and3A_225 : vector<1024x1xi32>
    %broadcast_in_dim3A_227 = vector.shape_cast %and3A_226 : vector<1024x1xi32> to vector<1024x1xi32>
    %broadcast_in_dim3A_228 = vector.broadcast %broadcast_in_dim3A_227 : vector<1024x1xi32> to vector<1024x16xi32>
    %select_n3A_229 = arith.select %eq3A_223, %broadcast_in_dim3A_228, %select_n3A_209 : vector<1024x16xi1>, vector<1024x16xi32>
    %eq3A_230 = vector.broadcast %broadcast_in_dim3A_220 : vector<1024x1xi32> to vector<1024x512xi32>
    %eq3A_231 = arith.cmpi eq, %select_n3A_212, %eq3A_230 : vector<1024x512xi32>
    %select_n3A_232 = arith.select %eq3A_231, %select_n3A_213, %select_n3A_212 : vector<1024x512xi1>, vector<1024x512xi32>
    %select_n3A_233 = arith.select %eq3A_231, %select_n3A_214, %select_n3A_213 : vector<1024x512xi1>, vector<1024x512xi32>
    %select_n3A_234 = arith.select %eq3A_231, %select_n3A_217, %select_n3A_214 : vector<1024x512xi1>, vector<1024x512xi32>
    %jit3A_235 = arith.constant 2147483647 : i32
    %broadcast_in_dim3A_236 = vector.broadcast %jit3A_235 : i32 to vector<1024x512xi32>
    %select_n3A_237 = arith.select %eq3A_231, %broadcast_in_dim3A_236, %select_n3A_217 : vector<1024x512xi1>, vector<1024x512xi32>
    %reduce_min3A_238 = arith.constant dense<2147483647> : vector<1024xi32>
    %reduce_min3A_239 = vector.multi_reduction <minsi>, %select_n3A_232, %reduce_min3A_238 [1] : vector<1024x512xi32> to vector<1024xi32>
    %broadcast_in_dim3A_240 = vector.shape_cast %reduce_min3A_239 : vector<1024xi32> to vector<1024x1xi32>
    %eq3A_241 = arith.constant 10 : i32
    %eq3A_242 = vector.broadcast %eq3A_241 : i32 to vector<1024x16xi32>
    %eq3A_243 = arith.cmpi eq, %iota3A_28, %eq3A_242 : vector<1024x16xi32>
    %and3A_244 = arith.constant 2047 : i32
    %and3A_245 = vector.broadcast %and3A_244 : i32 to vector<1024x1xi32>
    %and3A_246 = arith.andi %broadcast_in_dim3A_240, %and3A_245 : vector<1024x1xi32>
    %broadcast_in_dim3A_247 = vector.shape_cast %and3A_246 : vector<1024x1xi32> to vector<1024x1xi32>
    %broadcast_in_dim3A_248 = vector.broadcast %broadcast_in_dim3A_247 : vector<1024x1xi32> to vector<1024x16xi32>
    %select_n3A_249 = arith.select %eq3A_243, %broadcast_in_dim3A_248, %select_n3A_229 : vector<1024x16xi1>, vector<1024x16xi32>
    %eq3A_250 = vector.broadcast %broadcast_in_dim3A_240 : vector<1024x1xi32> to vector<1024x512xi32>
    %eq3A_251 = arith.cmpi eq, %select_n3A_232, %eq3A_250 : vector<1024x512xi32>
    %select_n3A_252 = arith.select %eq3A_251, %select_n3A_233, %select_n3A_232 : vector<1024x512xi1>, vector<1024x512xi32>
    %select_n3A_253 = arith.select %eq3A_251, %select_n3A_234, %select_n3A_233 : vector<1024x512xi1>, vector<1024x512xi32>
    %select_n3A_254 = arith.select %eq3A_251, %select_n3A_237, %select_n3A_234 : vector<1024x512xi1>, vector<1024x512xi32>
    %jit3A_255 = arith.constant 2147483647 : i32
    %broadcast_in_dim3A_256 = vector.broadcast %jit3A_255 : i32 to vector<1024x512xi32>
    %select_n3A_257 = arith.select %eq3A_251, %broadcast_in_dim3A_256, %select_n3A_237 : vector<1024x512xi1>, vector<1024x512xi32>
    %reduce_min3A_258 = arith.constant dense<2147483647> : vector<1024xi32>
    %reduce_min3A_259 = vector.multi_reduction <minsi>, %select_n3A_252, %reduce_min3A_258 [1] : vector<1024x512xi32> to vector<1024xi32>
    %broadcast_in_dim3A_260 = vector.shape_cast %reduce_min3A_259 : vector<1024xi32> to vector<1024x1xi32>
    %eq3A_261 = arith.constant 11 : i32
    %eq3A_262 = vector.broadcast %eq3A_261 : i32 to vector<1024x16xi32>
    %eq3A_263 = arith.cmpi eq, %iota3A_28, %eq3A_262 : vector<1024x16xi32>
    %and3A_264 = arith.constant 2047 : i32
    %and3A_265 = vector.broadcast %and3A_264 : i32 to vector<1024x1xi32>
    %and3A_266 = arith.andi %broadcast_in_dim3A_260, %and3A_265 : vector<1024x1xi32>
    %broadcast_in_dim3A_267 = vector.shape_cast %and3A_266 : vector<1024x1xi32> to vector<1024x1xi32>
    %broadcast_in_dim3A_268 = vector.broadcast %broadcast_in_dim3A_267 : vector<1024x1xi32> to vector<1024x16xi32>
    %select_n3A_269 = arith.select %eq3A_263, %broadcast_in_dim3A_268, %select_n3A_249 : vector<1024x16xi1>, vector<1024x16xi32>
    %eq3A_270 = vector.broadcast %broadcast_in_dim3A_260 : vector<1024x1xi32> to vector<1024x512xi32>
    %eq3A_271 = arith.cmpi eq, %select_n3A_252, %eq3A_270 : vector<1024x512xi32>
    %select_n3A_272 = arith.select %eq3A_271, %select_n3A_253, %select_n3A_252 : vector<1024x512xi1>, vector<1024x512xi32>
    %select_n3A_273 = arith.select %eq3A_271, %select_n3A_254, %select_n3A_253 : vector<1024x512xi1>, vector<1024x512xi32>
    %select_n3A_274 = arith.select %eq3A_271, %select_n3A_257, %select_n3A_254 : vector<1024x512xi1>, vector<1024x512xi32>
    %jit3A_275 = arith.constant 2147483647 : i32
    %broadcast_in_dim3A_276 = vector.broadcast %jit3A_275 : i32 to vector<1024x512xi32>
    %select_n3A_277 = arith.select %eq3A_271, %broadcast_in_dim3A_276, %select_n3A_257 : vector<1024x512xi1>, vector<1024x512xi32>
    %reduce_min3A_278 = arith.constant dense<2147483647> : vector<1024xi32>
    %reduce_min3A_279 = vector.multi_reduction <minsi>, %select_n3A_272, %reduce_min3A_278 [1] : vector<1024x512xi32> to vector<1024xi32>
    %broadcast_in_dim3A_280 = vector.shape_cast %reduce_min3A_279 : vector<1024xi32> to vector<1024x1xi32>
    %eq3A_281 = arith.constant 12 : i32
    %eq3A_282 = vector.broadcast %eq3A_281 : i32 to vector<1024x16xi32>
    %eq3A_283 = arith.cmpi eq, %iota3A_28, %eq3A_282 : vector<1024x16xi32>
    %and3A_284 = arith.constant 2047 : i32
    %and3A_285 = vector.broadcast %and3A_284 : i32 to vector<1024x1xi32>
    %and3A_286 = arith.andi %broadcast_in_dim3A_280, %and3A_285 : vector<1024x1xi32>
    %broadcast_in_dim3A_287 = vector.shape_cast %and3A_286 : vector<1024x1xi32> to vector<1024x1xi32>
    %broadcast_in_dim3A_288 = vector.broadcast %broadcast_in_dim3A_287 : vector<1024x1xi32> to vector<1024x16xi32>
    %select_n3A_289 = arith.select %eq3A_283, %broadcast_in_dim3A_288, %select_n3A_269 : vector<1024x16xi1>, vector<1024x16xi32>
    %eq3A_290 = vector.broadcast %broadcast_in_dim3A_280 : vector<1024x1xi32> to vector<1024x512xi32>
    %eq3A_291 = arith.cmpi eq, %select_n3A_272, %eq3A_290 : vector<1024x512xi32>
    %select_n3A_292 = arith.select %eq3A_291, %select_n3A_273, %select_n3A_272 : vector<1024x512xi1>, vector<1024x512xi32>
    %select_n3A_293 = arith.select %eq3A_291, %select_n3A_274, %select_n3A_273 : vector<1024x512xi1>, vector<1024x512xi32>
    %select_n3A_294 = arith.select %eq3A_291, %select_n3A_277, %select_n3A_274 : vector<1024x512xi1>, vector<1024x512xi32>
    %reduce_min3A_295 = arith.constant dense<2147483647> : vector<1024xi32>
    %reduce_min3A_296 = vector.multi_reduction <minsi>, %select_n3A_292, %reduce_min3A_295 [1] : vector<1024x512xi32> to vector<1024xi32>
    %broadcast_in_dim3A_297 = vector.shape_cast %reduce_min3A_296 : vector<1024xi32> to vector<1024x1xi32>
    %eq3A_298 = arith.constant 13 : i32
    %eq3A_299 = vector.broadcast %eq3A_298 : i32 to vector<1024x16xi32>
    %eq3A_300 = arith.cmpi eq, %iota3A_28, %eq3A_299 : vector<1024x16xi32>
    %and3A_301 = arith.constant 2047 : i32
    %and3A_302 = vector.broadcast %and3A_301 : i32 to vector<1024x1xi32>
    %and3A_303 = arith.andi %broadcast_in_dim3A_297, %and3A_302 : vector<1024x1xi32>
    %broadcast_in_dim3A_304 = vector.shape_cast %and3A_303 : vector<1024x1xi32> to vector<1024x1xi32>
    %broadcast_in_dim3A_305 = vector.broadcast %broadcast_in_dim3A_304 : vector<1024x1xi32> to vector<1024x16xi32>
    %select_n3A_306 = arith.select %eq3A_300, %broadcast_in_dim3A_305, %select_n3A_289 : vector<1024x16xi1>, vector<1024x16xi32>
    %eq3A_307 = vector.broadcast %broadcast_in_dim3A_297 : vector<1024x1xi32> to vector<1024x512xi32>
    %eq3A_308 = arith.cmpi eq, %select_n3A_292, %eq3A_307 : vector<1024x512xi32>
    %select_n3A_309 = arith.select %eq3A_308, %select_n3A_293, %select_n3A_292 : vector<1024x512xi1>, vector<1024x512xi32>
    %select_n3A_310 = arith.select %eq3A_308, %select_n3A_294, %select_n3A_293 : vector<1024x512xi1>, vector<1024x512xi32>
    %reduce_min3A_311 = arith.constant dense<2147483647> : vector<1024xi32>
    %reduce_min3A_312 = vector.multi_reduction <minsi>, %select_n3A_309, %reduce_min3A_311 [1] : vector<1024x512xi32> to vector<1024xi32>
    %broadcast_in_dim3A_313 = vector.shape_cast %reduce_min3A_312 : vector<1024xi32> to vector<1024x1xi32>
    %eq3A_314 = arith.constant 14 : i32
    %eq3A_315 = vector.broadcast %eq3A_314 : i32 to vector<1024x16xi32>
    %eq3A_316 = arith.cmpi eq, %iota3A_28, %eq3A_315 : vector<1024x16xi32>
    %and3A_317 = arith.constant 2047 : i32
    %and3A_318 = vector.broadcast %and3A_317 : i32 to vector<1024x1xi32>
    %and3A_319 = arith.andi %broadcast_in_dim3A_313, %and3A_318 : vector<1024x1xi32>
    %broadcast_in_dim3A_320 = vector.shape_cast %and3A_319 : vector<1024x1xi32> to vector<1024x1xi32>
    %broadcast_in_dim3A_321 = vector.broadcast %broadcast_in_dim3A_320 : vector<1024x1xi32> to vector<1024x16xi32>
    %select_n3A_322 = arith.select %eq3A_316, %broadcast_in_dim3A_321, %select_n3A_306 : vector<1024x16xi1>, vector<1024x16xi32>
    %eq3A_323 = vector.broadcast %broadcast_in_dim3A_313 : vector<1024x1xi32> to vector<1024x512xi32>
    %eq3A_324 = arith.cmpi eq, %select_n3A_309, %eq3A_323 : vector<1024x512xi32>
    %select_n3A_325 = arith.select %eq3A_324, %select_n3A_310, %select_n3A_309 : vector<1024x512xi1>, vector<1024x512xi32>
    %reduce_min3A_326 = arith.constant dense<2147483647> : vector<1024xi32>
    %reduce_min3A_327 = vector.multi_reduction <minsi>, %select_n3A_325, %reduce_min3A_326 [1] : vector<1024x512xi32> to vector<1024xi32>
    %broadcast_in_dim3A_328 = vector.shape_cast %reduce_min3A_327 : vector<1024xi32> to vector<1024x1xi32>
    %eq3A_329 = arith.constant 15 : i32
    %eq3A_330 = vector.broadcast %eq3A_329 : i32 to vector<1024x16xi32>
    %eq3A_331 = arith.cmpi eq, %iota3A_28, %eq3A_330 : vector<1024x16xi32>
    %and3A_332 = arith.constant 2047 : i32
    %and3A_333 = vector.broadcast %and3A_332 : i32 to vector<1024x1xi32>
    %and3A_334 = arith.andi %broadcast_in_dim3A_328, %and3A_333 : vector<1024x1xi32>
    %broadcast_in_dim3A_335 = vector.shape_cast %and3A_334 : vector<1024x1xi32> to vector<1024x1xi32>
    %broadcast_in_dim3A_336 = vector.broadcast %broadcast_in_dim3A_335 : vector<1024x1xi32> to vector<1024x16xi32>
    %select_n3A_337 = arith.select %eq3A_331, %broadcast_in_dim3A_336, %select_n3A_322 : vector<1024x16xi1>, vector<1024x16xi32>
    %mul3A_338 = arith.constant 2048 : i32
    %mul3A_339 = arith.muli %arg0, %mul3A_338 : i32
    %add3A_340 = vector.broadcast %mul3A_339 : i32 to vector<1024x16xi32>
    %add3A_341 = arith.addi %select_n3A_337, %add3A_340 : vector<1024x16xi32>
    %swap3A = arith.constant 0 : index
    %swap3A_342 = arith.constant 0 : index
    %swap3A_343 = arith.constant 0 : index
    %swap3A_344 = vector.load %arg4[%swap3A, %swap3A_342, %swap3A_343] : memref<1x1024x16xi32, #tpu.memory_space<vmem>>, vector<1x1024x16xi32>
    %swap3A_345 = vector.shape_cast %swap3A_344 : vector<1x1024x16xi32> to vector<1024x16xi32>
    %swap3A_346 = vector.shape_cast %add3A_341 : vector<1024x16xi32> to vector<1x1024x16xi32>
    tpu.vector_store %arg4[%swap3A, %swap3A_342, %swap3A_343], %swap3A_346 {strides = array<i32>} : memref<1x1024x16xi32, #tpu.memory_space<vmem>>, vector<1x1024x16xi32>,
    return
  }
  func.func @transform_0(%arg0: i32, %arg1: i32) -> (i32, i32, i32) {
    %c0_i32 = arith.constant 0 : i32
    %c0_i32_0 = arith.constant 0 : i32
    return %arg0, %arg1, %c0_i32 : i32, i32, i32
  }
  func.func @transform_1(%arg0: i32, %arg1: i32) -> (i32, i32, i32) {
    %c0_i32 = arith.constant 0 : i32
    %c0_i32_0 = arith.constant 0 : i32
    %c0_i32_1 = arith.constant 0 : i32
    return %arg0, %c0_i32, %c0_i32_0 : i32, i32, i32
  }
  func.func @transform_2(%arg0: i32, %arg1: i32) -> (i32, i32, i32) {
    %c0_i32 = arith.constant 0 : i32
    %c0_i32_0 = arith.constant 0 : i32
    return %arg0, %arg1, %c0_i32 : i32, i32, i32
  }
}

module attributes {stable_mosaic.version = 14 : i64} {
  func.func @_proj_body(%arg0: i32, %arg1: memref<512x256xf32, #tpu.memory_space<vmem>>, %arg2: memref<512x16xf32, #tpu.memory_space<vmem>>, %arg3: memref<256x64xf32, #tpu.memory_space<vmem>>, %arg4: memref<1x64xf32, #tpu.memory_space<vmem>>, %arg5: memref<64x64xf32, #tpu.memory_space<vmem>>, %arg6: memref<1x64xf32, #tpu.memory_space<vmem>>, %arg7: memref<64x64xf32, #tpu.memory_space<vmem>>, %arg8: memref<1x64xf32, #tpu.memory_space<vmem>>, %arg9: memref<64x64xf32, #tpu.memory_space<vmem>>, %arg10: memref<1x64xf32, #tpu.memory_space<vmem>>, %arg11: memref<512x64xf32, #tpu.memory_space<vmem>>, %arg12: memref<512x144xf32, #tpu.memory_space<vmem>>) attributes {dimension_semantics = [#tpu.dimension_semantics<arbitrary>], iteration_bounds = array<i64: 16>, scalar_prefetch = 0 : i64, scratch_operands = 0 : i64, tpu.core_type = #tpu.core_type<tc>, window_params = [{transform_indices = @transform_0, window_bounds = array<i64: 512, 256>}, {transform_indices = @transform_1, window_bounds = array<i64: 512, 16>}, {pipeline_mode = #tpu.pipeline_mode<synchronous>, transform_indices = @transform_2, window_bounds = array<i64: 256, 64>}, {pipeline_mode = #tpu.pipeline_mode<synchronous>, transform_indices = @transform_3, window_bounds = array<i64: 1, 64>}, {pipeline_mode = #tpu.pipeline_mode<synchronous>, transform_indices = @transform_4, window_bounds = array<i64: 64, 64>}, {pipeline_mode = #tpu.pipeline_mode<synchronous>, transform_indices = @transform_5, window_bounds = array<i64: 1, 64>}, {pipeline_mode = #tpu.pipeline_mode<synchronous>, transform_indices = @transform_6, window_bounds = array<i64: 64, 64>}, {pipeline_mode = #tpu.pipeline_mode<synchronous>, transform_indices = @transform_7, window_bounds = array<i64: 1, 64>}, {pipeline_mode = #tpu.pipeline_mode<synchronous>, transform_indices = @transform_8, window_bounds = array<i64: 64, 64>}, {pipeline_mode = #tpu.pipeline_mode<synchronous>, transform_indices = @transform_9, window_bounds = array<i64: 1, 64>}, {transform_indices = @transform_10, window_bounds = array<i64: 512, 64>}, {transform_indices = @transform_11, window_bounds = array<i64: 512, 144>}]} {
    %get3A = arith.constant 0 : index
    %get3A_0 = arith.constant 0 : index
    %get3A_1 = vector.load %arg1[%get3A, %get3A_0] : memref<512x256xf32, #tpu.memory_space<vmem>>, vector<512x256xf32>
    %get3A_2 = arith.constant 0 : index
    %get3A_3 = arith.constant 0 : index
    %get3A_4 = vector.load %arg3[%get3A_2, %get3A_3] : memref<256x64xf32, #tpu.memory_space<vmem>>, vector<256x64xf32>
    %dot_general3A = arith.constant dense<0.000000e+00> : vector<512x64xf32>
    %dot_general3A_5 = tpu.matmul %get3A_1, %get3A_4, %dot_general3A {dimension_numbers = #tpu.dot_dimension_numbers<[1], [0], [0], [1], [0, 0, 1, 1], [], []>, transpose_lhs_hint = false} : vector<512x256xf32>, vector<256x64xf32>, vector<512x64xf32> -> vector<512x64xf32>
    %get3A_6 = arith.constant 0 : index
    %get3A_7 = arith.constant 0 : index
    %get3A_8 = vector.load %arg4[%get3A_6, %get3A_7] : memref<1x64xf32, #tpu.memory_space<vmem>>, vector<1x64xf32>
    %add3A = vector.broadcast %get3A_8 : vector<1x64xf32> to vector<512x64xf32>
    %add3A_9 = arith.addf %dot_general3A_5, %add3A : vector<512x64xf32>
    %get3A_10 = arith.constant 0 : index
    %get3A_11 = arith.constant 0 : index
    %get3A_12 = vector.load %arg5[%get3A_10, %get3A_11] : memref<64x64xf32, #tpu.memory_space<vmem>>, vector<64x64xf32>
    %dot_general3A_13 = arith.constant dense<0.000000e+00> : vector<512x64xf32>
    %dot_general3A_14 = tpu.matmul %add3A_9, %get3A_12, %dot_general3A_13 {dimension_numbers = #tpu.dot_dimension_numbers<[1], [0], [0], [1], [0, 0, 1, 1], [], []>, transpose_lhs_hint = false} : vector<512x64xf32>, vector<64x64xf32>, vector<512x64xf32> -> vector<512x64xf32>
    %get3A_15 = arith.constant 0 : index
    %get3A_16 = arith.constant 0 : index
    %get3A_17 = vector.load %arg6[%get3A_15, %get3A_16] : memref<1x64xf32, #tpu.memory_space<vmem>>, vector<1x64xf32>
    %add3A_18 = vector.broadcast %get3A_17 : vector<1x64xf32> to vector<512x64xf32>
    %add3A_19 = arith.addf %dot_general3A_14, %add3A_18 : vector<512x64xf32>
    %get3A_20 = arith.constant 0 : index
    %get3A_21 = arith.constant 0 : index
    %get3A_22 = vector.load %arg7[%get3A_20, %get3A_21] : memref<64x64xf32, #tpu.memory_space<vmem>>, vector<64x64xf32>
    %dot_general3A_23 = arith.constant dense<0.000000e+00> : vector<512x64xf32>
    %dot_general3A_24 = tpu.matmul %add3A_9, %get3A_22, %dot_general3A_23 {dimension_numbers = #tpu.dot_dimension_numbers<[1], [0], [0], [1], [0, 0, 1, 1], [], []>, transpose_lhs_hint = false} : vector<512x64xf32>, vector<64x64xf32>, vector<512x64xf32> -> vector<512x64xf32>
    %get3A_25 = arith.constant 0 : index
    %get3A_26 = arith.constant 0 : index
    %get3A_27 = vector.load %arg8[%get3A_25, %get3A_26] : memref<1x64xf32, #tpu.memory_space<vmem>>, vector<1x64xf32>
    %add3A_28 = vector.broadcast %get3A_27 : vector<1x64xf32> to vector<512x64xf32>
    %add3A_29 = arith.addf %dot_general3A_24, %add3A_28 : vector<512x64xf32>
    %get3A_30 = arith.constant 0 : index
    %get3A_31 = arith.constant 0 : index
    %get3A_32 = vector.load %arg9[%get3A_30, %get3A_31] : memref<64x64xf32, #tpu.memory_space<vmem>>, vector<64x64xf32>
    %dot_general3A_33 = arith.constant dense<0.000000e+00> : vector<512x64xf32>
    %dot_general3A_34 = tpu.matmul %add3A_9, %get3A_32, %dot_general3A_33 {dimension_numbers = #tpu.dot_dimension_numbers<[1], [0], [0], [1], [0, 0, 1, 1], [], []>, transpose_lhs_hint = false} : vector<512x64xf32>, vector<64x64xf32>, vector<512x64xf32> -> vector<512x64xf32>
    %get3A_35 = arith.constant 0 : index
    %get3A_36 = arith.constant 0 : index
    %get3A_37 = vector.load %arg10[%get3A_35, %get3A_36] : memref<1x64xf32, #tpu.memory_space<vmem>>, vector<1x64xf32>
    %add3A_38 = vector.broadcast %get3A_37 : vector<1x64xf32> to vector<512x64xf32>
    %add3A_39 = arith.addf %dot_general3A_34, %add3A_38 : vector<512x64xf32>
    %swap3A = arith.constant 0 : index
    %swap3A_40 = arith.constant 0 : index
    %swap3A_41 = vector.load %arg11[%swap3A, %swap3A_40] : memref<512x64xf32, #tpu.memory_space<vmem>>, vector<512x64xf32>
    tpu.vector_store %arg11[%swap3A, %swap3A_40], %add3A_19 {strides = array<i32>} : memref<512x64xf32, #tpu.memory_space<vmem>>, vector<512x64xf32>,
    %swap3A_42 = arith.constant 0 : index
    %swap3A_43 = arith.constant 0 : index
    %swap3A_44 = vector.load %arg12[%swap3A_42, %swap3A_43] : memref<512x144xf32, #tpu.memory_space<vmem>>, vector<512x64xf32>
    tpu.vector_store %arg12[%swap3A_42, %swap3A_43], %add3A_29 {strides = array<i32>} : memref<512x144xf32, #tpu.memory_space<vmem>>, vector<512x64xf32>,
    %swap3A_45 = arith.constant 0 : index
    %swap3A_46 = arith.constant 64 : index
    %swap3A_47 = vector.load %arg12[%swap3A_45, %swap3A_46] : memref<512x144xf32, #tpu.memory_space<vmem>>, vector<512x64xf32>
    tpu.vector_store %arg12[%swap3A_45, %swap3A_46], %add3A_39 {strides = array<i32>} : memref<512x144xf32, #tpu.memory_space<vmem>>, vector<512x64xf32>,
    %get3A_48 = arith.constant 0 : index
    %get3A_49 = arith.constant 0 : index
    %get3A_50 = vector.load %arg2[%get3A_48, %get3A_49] : memref<512x16xf32, #tpu.memory_space<vmem>>, vector<512x16xf32>
    %swap3A_51 = arith.constant 0 : index
    %swap3A_52 = arith.constant 128 : index
    %swap3A_53 = vector.load %arg12[%swap3A_51, %swap3A_52] : memref<512x144xf32, #tpu.memory_space<vmem>>, vector<512x16xf32>
    tpu.vector_store %arg12[%swap3A_51, %swap3A_52], %get3A_50 {strides = array<i32>} : memref<512x144xf32, #tpu.memory_space<vmem>>, vector<512x16xf32>,
    return
  }
  func.func @transform_0(%arg0: i32) -> (i32, i32) {
    %c0_i32 = arith.constant 0 : i32
    %c0_i32_0 = arith.constant 0 : i32
    return %arg0, %c0_i32 : i32, i32
  }
  func.func @transform_1(%arg0: i32) -> (i32, i32) {
    %c0_i32 = arith.constant 0 : i32
    %c0_i32_0 = arith.constant 0 : i32
    return %arg0, %c0_i32 : i32, i32
  }
  func.func @transform_2(%arg0: i32) -> (i32, i32) {
    %c0_i32 = arith.constant 0 : i32
    %c0_i32_0 = arith.constant 0 : i32
    %c0_i32_1 = arith.constant 0 : i32
    return %c0_i32, %c0_i32_0 : i32, i32
  }
  func.func @transform_3(%arg0: i32) -> (i32, i32) {
    %c0_i32 = arith.constant 0 : i32
    %c0_i32_0 = arith.constant 0 : i32
    %c0_i32_1 = arith.constant 0 : i32
    return %c0_i32, %c0_i32_0 : i32, i32
  }
  func.func @transform_4(%arg0: i32) -> (i32, i32) {
    %c0_i32 = arith.constant 0 : i32
    %c0_i32_0 = arith.constant 0 : i32
    %c0_i32_1 = arith.constant 0 : i32
    return %c0_i32, %c0_i32_0 : i32, i32
  }
  func.func @transform_5(%arg0: i32) -> (i32, i32) {
    %c0_i32 = arith.constant 0 : i32
    %c0_i32_0 = arith.constant 0 : i32
    %c0_i32_1 = arith.constant 0 : i32
    return %c0_i32, %c0_i32_0 : i32, i32
  }
  func.func @transform_6(%arg0: i32) -> (i32, i32) {
    %c0_i32 = arith.constant 0 : i32
    %c0_i32_0 = arith.constant 0 : i32
    %c0_i32_1 = arith.constant 0 : i32
    return %c0_i32, %c0_i32_0 : i32, i32
  }
  func.func @transform_7(%arg0: i32) -> (i32, i32) {
    %c0_i32 = arith.constant 0 : i32
    %c0_i32_0 = arith.constant 0 : i32
    %c0_i32_1 = arith.constant 0 : i32
    return %c0_i32, %c0_i32_0 : i32, i32
  }
  func.func @transform_8(%arg0: i32) -> (i32, i32) {
    %c0_i32 = arith.constant 0 : i32
    %c0_i32_0 = arith.constant 0 : i32
    %c0_i32_1 = arith.constant 0 : i32
    return %c0_i32, %c0_i32_0 : i32, i32
  }
  func.func @transform_9(%arg0: i32) -> (i32, i32) {
    %c0_i32 = arith.constant 0 : i32
    %c0_i32_0 = arith.constant 0 : i32
    %c0_i32_1 = arith.constant 0 : i32
    return %c0_i32, %c0_i32_0 : i32, i32
  }
  func.func @transform_10(%arg0: i32) -> (i32, i32) {
    %c0_i32 = arith.constant 0 : i32
    %c0_i32_0 = arith.constant 0 : i32
    return %arg0, %c0_i32 : i32, i32
  }
  func.func @transform_11(%arg0: i32) -> (i32, i32) {
    %c0_i32 = arith.constant 0 : i32
    %c0_i32_0 = arith.constant 0 : i32
    return %arg0, %c0_i32 : i32, i32
  }
}

module attributes {stable_mosaic.version = 14 : i64} {
  func.func @_attn_body(%arg0: i32, %arg1: memref<256x64xf32, #tpu.memory_space<vmem>>, %arg2: memref<256x16xf32, #tpu.memory_space<vmem>>, %arg3: memref<4096x144xf32, #tpu.memory_space<vmem>>, %arg4: memref<256x256xf32, #tpu.memory_space<vmem>>, %arg5: memref<16x64xf32, #tpu.memory_space<vmem>>, %arg6: memref<1x64xf32, #tpu.memory_space<vmem>>, %arg7: memref<64x64xbf16, #tpu.memory_space<vmem>>, %arg8: memref<1x64xf32, #tpu.memory_space<vmem>>, %arg9: memref<64x256xbf16, #tpu.memory_space<vmem>>, %arg10: memref<1x256xf32, #tpu.memory_space<vmem>>, %arg11: memref<256x64xbf16, #tpu.memory_space<vmem>>, %arg12: memref<1x64xf32, #tpu.memory_space<vmem>>, %arg13: memref<64x256xf32, #tpu.memory_space<vmem>>, %arg14: memref<1x256xf32, #tpu.memory_space<vmem>>, %arg15: memref<256x256xf32, #tpu.memory_space<vmem>>, %arg16: memref<4096x64xf32, #tpu.memory_space<vmem>>) attributes {dimension_semantics = [#tpu.dimension_semantics<arbitrary>], iteration_bounds = array<i64: 8>, scalar_prefetch = 0 : i64, scratch_operands = 0 : i64, tpu.core_type = #tpu.core_type<tc>, window_params = [{transform_indices = @transform_0, window_bounds = array<i64: 256, 64>}, {transform_indices = @transform_1, window_bounds = array<i64: 256, 16>}, {transform_indices = @transform_2, window_bounds = array<i64: 4096, 144>}, {transform_indices = @transform_3, window_bounds = array<i64: 256, 256>}, {pipeline_mode = #tpu.pipeline_mode<synchronous>, transform_indices = @transform_4, window_bounds = array<i64: 16, 64>}, {pipeline_mode = #tpu.pipeline_mode<synchronous>, transform_indices = @transform_5, window_bounds = array<i64: 1, 64>}, {pipeline_mode = #tpu.pipeline_mode<synchronous>, transform_indices = @transform_6, window_bounds = array<i64: 64, 64>}, {pipeline_mode = #tpu.pipeline_mode<synchronous>, transform_indices = @transform_7, window_bounds = array<i64: 1, 64>}, {pipeline_mode = #tpu.pipeline_mode<synchronous>, transform_indices = @transform_8, window_bounds = array<i64: 64, 256>}, {pipeline_mode = #tpu.pipeline_mode<synchronous>, transform_indices = @transform_9, window_bounds = array<i64: 1, 256>}, {pipeline_mode = #tpu.pipeline_mode<synchronous>, transform_indices = @transform_10, window_bounds = array<i64: 256, 64>}, {pipeline_mode = #tpu.pipeline_mode<synchronous>, transform_indices = @transform_11, window_bounds = array<i64: 1, 64>}, {pipeline_mode = #tpu.pipeline_mode<synchronous>, transform_indices = @transform_12, window_bounds = array<i64: 64, 256>}, {pipeline_mode = #tpu.pipeline_mode<synchronous>, transform_indices = @transform_13, window_bounds = array<i64: 1, 256>}, {transform_indices = @transform_14, window_bounds = array<i64: 256, 256>}, {transform_indices = @transform_15, window_bounds = array<i64: 4096, 64>}]} {
    %get3A = arith.constant 0 : index
    %get3A_0 = arith.constant 0 : index
    %get3A_1 = vector.load %arg3[%get3A, %get3A_0] : memref<4096x144xf32, #tpu.memory_space<vmem>>, vector<4096x144xf32>
    %slice3A = vector.extract_strided_slice %get3A_1 {offsets = [0, 0], sizes = [4096, 64], strides = [1, 1]} : vector<4096x144xf32> to vector<4096x64xf32>
    %slice3A_2 = vector.extract_strided_slice %get3A_1 {offsets = [0, 64], sizes = [4096, 64], strides = [1, 1]} : vector<4096x144xf32> to vector<4096x64xf32>
    %slice3A_3 = vector.extract_strided_slice %get3A_1 {offsets = [0, 128], sizes = [4096, 16], strides = [1, 1]} : vector<4096x144xf32> to vector<4096x16xf32>
    %get3A_4 = arith.constant 0 : index
    %get3A_5 = arith.constant 0 : index
    %get3A_6 = vector.load %arg2[%get3A_4, %get3A_5] : memref<256x16xf32, #tpu.memory_space<vmem>>, vector<256x16xf32>
    %broadcast_in_dim3A = vector.shape_cast %get3A_6 : vector<256x16xf32> to vector<256x1x16xf32>
    %broadcast_in_dim3A_7 = vector.shape_cast %broadcast_in_dim3A : vector<256x1x16xf32> to vector<256x1x16xf32>
    %broadcast_in_dim3A_8 = vector.broadcast %broadcast_in_dim3A_7 : vector<256x1x16xf32> to vector<256x16x16xf32>
    %reshape3A = vector.shape_cast %broadcast_in_dim3A_8 : vector<256x16x16xf32> to vector<4096x16xf32>
    %sub3A = arith.subf %slice3A_3, %reshape3A : vector<4096x16xf32>
    %get3A_9 = arith.constant 0 : index
    %get3A_10 = arith.constant 0 : index
    %get3A_11 = vector.load %arg5[%get3A_9, %get3A_10] : memref<16x64xf32, #tpu.memory_space<vmem>>, vector<16x64xf32>
    %dot_general3A = arith.constant dense<0.000000e+00> : vector<4096x64xf32>
    %dot_general3A_12 = tpu.matmul %sub3A, %get3A_11, %dot_general3A {dimension_numbers = #tpu.dot_dimension_numbers<[1], [0], [0], [1], [0, 0, 1, 1], [], []>, transpose_lhs_hint = false} : vector<4096x16xf32>, vector<16x64xf32>, vector<4096x64xf32> -> vector<4096x64xf32>
    %get3A_13 = arith.constant 0 : index
    %get3A_14 = arith.constant 0 : index
    %get3A_15 = vector.load %arg6[%get3A_13, %get3A_14] : memref<1x64xf32, #tpu.memory_space<vmem>>, vector<1x64xf32>
    %add3A = vector.broadcast %get3A_15 : vector<1x64xf32> to vector<4096x64xf32>
    %add3A_16 = arith.addf %dot_general3A_12, %add3A : vector<4096x64xf32>
    %max3A = arith.constant 0.000000e+00 : f32
    %max3A_17 = vector.broadcast %max3A : f32 to vector<4096x64xf32>
    %max3A_18 = arith.maximumf %add3A_16, %max3A_17 : vector<4096x64xf32>
    %convert_element_type3A = arith.truncf %max3A_18 : vector<4096x64xf32> to vector<4096x64xbf16>
    %get3A_19 = arith.constant 0 : index
    %get3A_20 = arith.constant 0 : index
    %get3A_21 = vector.load %arg7[%get3A_19, %get3A_20] : memref<64x64xbf16, #tpu.memory_space<vmem>>, vector<64x64xbf16>
    %dot_general3A_22 = arith.constant dense<0.000000e+00> : vector<4096x64xf32>
    %dot_general3A_23 = tpu.matmul %convert_element_type3A, %get3A_21, %dot_general3A_22 {dimension_numbers = #tpu.dot_dimension_numbers<[1], [0], [0], [1], [0, 0, 1, 1], [], []>, transpose_lhs_hint = false} : vector<4096x64xbf16>, vector<64x64xbf16>, vector<4096x64xf32> -> vector<4096x64xf32>
    %get3A_24 = arith.constant 0 : index
    %get3A_25 = arith.constant 0 : index
    %get3A_26 = vector.load %arg8[%get3A_24, %get3A_25] : memref<1x64xf32, #tpu.memory_space<vmem>>, vector<1x64xf32>
    %add3A_27 = vector.broadcast %get3A_26 : vector<1x64xf32> to vector<4096x64xf32>
    %add3A_28 = arith.addf %dot_general3A_23, %add3A_27 : vector<4096x64xf32>
    %get3A_29 = arith.constant 0 : index
    %get3A_30 = arith.constant 0 : index
    %get3A_31 = vector.load %arg1[%get3A_29, %get3A_30] : memref<256x64xf32, #tpu.memory_space<vmem>>, vector<256x64xf32>
    %broadcast_in_dim3A_32 = vector.shape_cast %get3A_31 : vector<256x64xf32> to vector<256x1x64xf32>
    %broadcast_in_dim3A_33 = vector.shape_cast %broadcast_in_dim3A_32 : vector<256x1x64xf32> to vector<256x1x64xf32>
    %broadcast_in_dim3A_34 = vector.broadcast %broadcast_in_dim3A_33 : vector<256x1x64xf32> to vector<256x16x64xf32>
    %reshape3A_35 = vector.shape_cast %broadcast_in_dim3A_34 : vector<256x16x64xf32> to vector<4096x64xf32>
    %sub3A_36 = arith.subf %reshape3A_35, %slice3A : vector<4096x64xf32>
    %add3A_37 = arith.addf %sub3A_36, %add3A_28 : vector<4096x64xf32>
    %convert_element_type3A_38 = arith.truncf %add3A_37 : vector<4096x64xf32> to vector<4096x64xbf16>
    %get3A_39 = arith.constant 0 : index
    %get3A_40 = arith.constant 0 : index
    %get3A_41 = vector.load %arg9[%get3A_39, %get3A_40] : memref<64x256xbf16, #tpu.memory_space<vmem>>, vector<64x256xbf16>
    %dot_general3A_42 = arith.constant dense<0.000000e+00> : vector<4096x256xf32>
    %dot_general3A_43 = tpu.matmul %convert_element_type3A_38, %get3A_41, %dot_general3A_42 {dimension_numbers = #tpu.dot_dimension_numbers<[1], [0], [0], [1], [0, 0, 1, 1], [], []>, transpose_lhs_hint = false} : vector<4096x64xbf16>, vector<64x256xbf16>, vector<4096x256xf32> -> vector<4096x256xf32>
    %get3A_44 = arith.constant 0 : index
    %get3A_45 = arith.constant 0 : index
    %get3A_46 = vector.load %arg10[%get3A_44, %get3A_45] : memref<1x256xf32, #tpu.memory_space<vmem>>, vector<1x256xf32>
    %add3A_47 = vector.broadcast %get3A_46 : vector<1x256xf32> to vector<4096x256xf32>
    %add3A_48 = arith.addf %dot_general3A_43, %add3A_47 : vector<4096x256xf32>
    %max3A_49 = arith.constant 0.000000e+00 : f32
    %max3A_50 = vector.broadcast %max3A_49 : f32 to vector<4096x256xf32>
    %max3A_51 = arith.maximumf %add3A_48, %max3A_50 : vector<4096x256xf32>
    %convert_element_type3A_52 = arith.truncf %max3A_51 : vector<4096x256xf32> to vector<4096x256xbf16>
    %get3A_53 = arith.constant 0 : index
    %get3A_54 = arith.constant 0 : index
    %get3A_55 = vector.load %arg11[%get3A_53, %get3A_54] : memref<256x64xbf16, #tpu.memory_space<vmem>>, vector<256x64xbf16>
    %dot_general3A_56 = arith.constant dense<0.000000e+00> : vector<4096x64xf32>
    %dot_general3A_57 = tpu.matmul %convert_element_type3A_52, %get3A_55, %dot_general3A_56 {dimension_numbers = #tpu.dot_dimension_numbers<[1], [0], [0], [1], [0, 0, 1, 1], [], []>, transpose_lhs_hint = false} : vector<4096x256xbf16>, vector<256x64xbf16>, vector<4096x64xf32> -> vector<4096x64xf32>
    %get3A_58 = arith.constant 0 : index
    %get3A_59 = arith.constant 0 : index
    %get3A_60 = vector.load %arg12[%get3A_58, %get3A_59] : memref<1x64xf32, #tpu.memory_space<vmem>>, vector<1x64xf32>
    %add3A_61 = vector.broadcast %get3A_60 : vector<1x64xf32> to vector<4096x64xf32>
    %add3A_62 = arith.addf %dot_general3A_57, %add3A_61 : vector<4096x64xf32>
    %mul3A = arith.constant 1.250000e-01 : f32
    %mul3A_63 = vector.broadcast %mul3A : f32 to vector<4096x64xf32>
    %mul3A_64 = arith.mulf %add3A_62, %mul3A_63 : vector<4096x64xf32>
    %reshape3A_65 = vector.shape_cast %mul3A_64 : vector<4096x64xf32> to vector<256x16x64xf32>
    %reduce_max3A = arith.constant dense<0xFF800000> : vector<256x64xf32>
    %reduce_max3A_66 = vector.multi_reduction <maximumf>, %reshape3A_65, %reduce_max3A [1] : vector<256x16x64xf32> to vector<256x64xf32>
    %broadcast_in_dim3A_67 = vector.shape_cast %reduce_max3A_66 : vector<256x64xf32> to vector<256x1x64xf32>
    %sub3A_68 = vector.broadcast %broadcast_in_dim3A_67 : vector<256x1x64xf32> to vector<256x16x64xf32>
    %sub3A_69 = arith.subf %reshape3A_65, %sub3A_68 : vector<256x16x64xf32>
    %exp3A = math.exp %sub3A_69 : vector<256x16x64xf32>
    %reduce_sum3A = arith.constant dense<0.000000e+00> : vector<256x64xf32>
    %reduce_sum3A_70 = vector.multi_reduction <add>, %exp3A, %reduce_sum3A [1] : vector<256x16x64xf32> to vector<256x64xf32>
    %broadcast_in_dim3A_71 = vector.shape_cast %reduce_sum3A_70 : vector<256x64xf32> to vector<256x1x64xf32>
    %div3A = vector.broadcast %broadcast_in_dim3A_71 : vector<256x1x64xf32> to vector<256x16x64xf32>
    %div3A_72 = arith.divf %exp3A, %div3A : vector<256x16x64xf32>
    %reshape3A_73 = vector.shape_cast %div3A_72 : vector<256x16x64xf32> to vector<4096x64xf32>
    %swap3A = arith.constant 0 : index
    %swap3A_74 = arith.constant 0 : index
    %swap3A_75 = vector.load %arg16[%swap3A, %swap3A_74] : memref<4096x64xf32, #tpu.memory_space<vmem>>, vector<4096x64xf32>
    tpu.vector_store %arg16[%swap3A, %swap3A_74], %reshape3A_73 {strides = array<i32>} : memref<4096x64xf32, #tpu.memory_space<vmem>>, vector<4096x64xf32>,
    %add3A_76 = arith.addf %slice3A_2, %add3A_28 : vector<4096x64xf32>
    %reshape3A_77 = vector.shape_cast %add3A_76 : vector<4096x64xf32> to vector<256x16x64xf32>
    %mul3A_78 = arith.mulf %div3A_72, %reshape3A_77 : vector<256x16x64xf32>
    %reduce_sum3A_79 = arith.constant dense<0.000000e+00> : vector<256x64xf32>
    %reduce_sum3A_80 = vector.multi_reduction <add>, %mul3A_78, %reduce_sum3A_79 [1] : vector<256x16x64xf32> to vector<256x64xf32>
    %get3A_81 = arith.constant 0 : index
    %get3A_82 = arith.constant 0 : index
    %get3A_83 = vector.load %arg13[%get3A_81, %get3A_82] : memref<64x256xf32, #tpu.memory_space<vmem>>, vector<64x256xf32>
    %dot_general3A_84 = arith.constant dense<0.000000e+00> : vector<256x256xf32>
    %dot_general3A_85 = tpu.matmul %reduce_sum3A_80, %get3A_83, %dot_general3A_84 {dimension_numbers = #tpu.dot_dimension_numbers<[1], [0], [0], [1], [0, 0, 1, 1], [], []>, transpose_lhs_hint = false} : vector<256x64xf32>, vector<64x256xf32>, vector<256x256xf32> -> vector<256x256xf32>
    %get3A_86 = arith.constant 0 : index
    %get3A_87 = arith.constant 0 : index
    %get3A_88 = vector.load %arg14[%get3A_86, %get3A_87] : memref<1x256xf32, #tpu.memory_space<vmem>>, vector<1x256xf32>
    %add3A_89 = vector.broadcast %get3A_88 : vector<1x256xf32> to vector<256x256xf32>
    %add3A_90 = arith.addf %dot_general3A_85, %add3A_89 : vector<256x256xf32>
    %get3A_91 = arith.constant 0 : index
    %get3A_92 = arith.constant 0 : index
    %get3A_93 = vector.load %arg4[%get3A_91, %get3A_92] : memref<256x256xf32, #tpu.memory_space<vmem>>, vector<256x256xf32>
    %add3A_94 = arith.addf %add3A_90, %get3A_93 : vector<256x256xf32>
    %swap3A_95 = arith.constant 0 : index
    %swap3A_96 = arith.constant 0 : index
    %swap3A_97 = vector.load %arg15[%swap3A_95, %swap3A_96] : memref<256x256xf32, #tpu.memory_space<vmem>>, vector<256x256xf32>
    tpu.vector_store %arg15[%swap3A_95, %swap3A_96], %add3A_94 {strides = array<i32>} : memref<256x256xf32, #tpu.memory_space<vmem>>, vector<256x256xf32>,
    return
  }
  func.func @transform_0(%arg0: i32) -> (i32, i32) {
    %c0_i32 = arith.constant 0 : i32
    %c0_i32_0 = arith.constant 0 : i32
    return %arg0, %c0_i32 : i32, i32
  }
  func.func @transform_1(%arg0: i32) -> (i32, i32) {
    %c0_i32 = arith.constant 0 : i32
    %c0_i32_0 = arith.constant 0 : i32
    return %arg0, %c0_i32 : i32, i32
  }
  func.func @transform_2(%arg0: i32) -> (i32, i32) {
    %c0_i32 = arith.constant 0 : i32
    %c0_i32_0 = arith.constant 0 : i32
    return %arg0, %c0_i32 : i32, i32
  }
  func.func @transform_3(%arg0: i32) -> (i32, i32) {
    %c0_i32 = arith.constant 0 : i32
    %c0_i32_0 = arith.constant 0 : i32
    return %arg0, %c0_i32 : i32, i32
  }
  func.func @transform_4(%arg0: i32) -> (i32, i32) {
    %c0_i32 = arith.constant 0 : i32
    %c0_i32_0 = arith.constant 0 : i32
    %c0_i32_1 = arith.constant 0 : i32
    return %c0_i32, %c0_i32_0 : i32, i32
  }
  func.func @transform_5(%arg0: i32) -> (i32, i32) {
    %c0_i32 = arith.constant 0 : i32
    %c0_i32_0 = arith.constant 0 : i32
    %c0_i32_1 = arith.constant 0 : i32
    return %c0_i32, %c0_i32_0 : i32, i32
  }
  func.func @transform_6(%arg0: i32) -> (i32, i32) {
    %c0_i32 = arith.constant 0 : i32
    %c0_i32_0 = arith.constant 0 : i32
    %c0_i32_1 = arith.constant 0 : i32
    return %c0_i32, %c0_i32_0 : i32, i32
  }
  func.func @transform_7(%arg0: i32) -> (i32, i32) {
    %c0_i32 = arith.constant 0 : i32
    %c0_i32_0 = arith.constant 0 : i32
    %c0_i32_1 = arith.constant 0 : i32
    return %c0_i32, %c0_i32_0 : i32, i32
  }
  func.func @transform_8(%arg0: i32) -> (i32, i32) {
    %c0_i32 = arith.constant 0 : i32
    %c0_i32_0 = arith.constant 0 : i32
    %c0_i32_1 = arith.constant 0 : i32
    return %c0_i32, %c0_i32_0 : i32, i32
  }
  func.func @transform_9(%arg0: i32) -> (i32, i32) {
    %c0_i32 = arith.constant 0 : i32
    %c0_i32_0 = arith.constant 0 : i32
    %c0_i32_1 = arith.constant 0 : i32
    return %c0_i32, %c0_i32_0 : i32, i32
  }
  func.func @transform_10(%arg0: i32) -> (i32, i32) {
    %c0_i32 = arith.constant 0 : i32
    %c0_i32_0 = arith.constant 0 : i32
    %c0_i32_1 = arith.constant 0 : i32
    return %c0_i32, %c0_i32_0 : i32, i32
  }
  func.func @transform_11(%arg0: i32) -> (i32, i32) {
    %c0_i32 = arith.constant 0 : i32
    %c0_i32_0 = arith.constant 0 : i32
    %c0_i32_1 = arith.constant 0 : i32
    return %c0_i32, %c0_i32_0 : i32, i32
  }
  func.func @transform_12(%arg0: i32) -> (i32, i32) {
    %c0_i32 = arith.constant 0 : i32
    %c0_i32_0 = arith.constant 0 : i32
    %c0_i32_1 = arith.constant 0 : i32
    return %c0_i32, %c0_i32_0 : i32, i32
  }
  func.func @transform_13(%arg0: i32) -> (i32, i32) {
    %c0_i32 = arith.constant 0 : i32
    %c0_i32_0 = arith.constant 0 : i32
    %c0_i32_1 = arith.constant 0 : i32
    return %c0_i32, %c0_i32_0 : i32, i32
  }
  func.func @transform_14(%arg0: i32) -> (i32, i32) {
    %c0_i32 = arith.constant 0 : i32
    %c0_i32_0 = arith.constant 0 : i32
    return %arg0, %c0_i32 : i32, i32
  }
  func.func @transform_15(%arg0: i32) -> (i32, i32) {
    %c0_i32 = arith.constant 0 : i32
    %c0_i32_0 = arith.constant 0 : i32
    return %arg0, %c0_i32 : i32, i32
  }
}

</mosaic_0001>

<sc_bundles>
// kernel: kernel.15.cloned.1.call-start
scs
__scs_entry_jumppad:
0x0: {  	(pc) =	sbr.rel $0x88, $3  }
0x1: {  	(tag) =	ssettag $0x0;
	lr =	simm.s32 $0x1  }
0x2: {  	[smem:$0x3F8D] =	sst lr;
	_ =	strace $0xD0000000  }
0x3: {  	_ = 	snop  }
0x4: {  	_ = 	snop  }
0x5: {  	_ = 	snop  }
0x6: {  	_ = 	snop  }
0x7: {  	_ = 	snop  }
__scs_overlays_trampoline_lowered:
0x8: {  	[smem:$0x3F9C] =	sst s0  }
0x9: {  	[smem:$0x3F9D] =	sst s1  }
0xa: {  	[smem:$0x3F9E] =	sst s2  }
0xb: {  	[smem:$0x3F9F] =	sst s3  }
0xc: {  	[smem:$0x3FA0] =	sst s4  }
0xd: {  	[smem:$0x3FA1] =	sst s5  }
0xe: {  	[smem:$0x3FA2] =	sst s6  }
0xf: {  	[smem:$0x3FA3] =	sst s7  }
0x10: {  	[smem:$0x3FA4] =	sst s8  }
0x11: {  	[smem:$0x3FA5] =	sst s9;
	s0 =	simm.s32 @!p0 $0x0  }
0x12: {  	s1 =	sld [smem:$0x3F8B];
	s0 =	simm.s32 @p0 $0x1  }
0x13: {  	[smem:$0x3FA6] =	sst s0;
	s0 =	simm.s32 @!p1 $0x0  }
0x14: {  	s2 =	sld [smem:$0x3F8A];
	s0 =	simm.s32 @p1 $0x1  }
0x15: {  	[smem:$0x3FA7] =	sst s0;
	s0 =	simm.s32 @!p2 $0x0  }
0x16: {  	s3 =	sld [smem:$0x3FDB];
	s0 =	simm.s32 @p2 $0x1  }
0x17: {  	s4 =	simm.s32 $0x1BF5;
	[smem:$0x3FA9] =	sst s0  }
0x18: {  	s0 =	sld [smem:$0x3F8C];
	_ =	swait.ge [sflag:s4], $0x0  }
0x19: {  	s7 =	sld [smem:$0x3F8D]  }
0x1a: {  	s8 =	sadd.s32 $0xFFFFE003, lr  }
0x1b: {  	s9 =	sadd.s32 $0xFFFFFEF7, lr;
	s5 =	simm.s32 $0xFFFFFFFF;
	p2 =	slt.u32 s8, $0xFFFFF086  }
0x1c: {  	p1 =	slt.u32 s9, $0xF7A;
	s5 =	simm.s32 @!p2 $0x0  }
0x1d: {  	s5 =	simm.s32 @p1 $0x1;
	p0 =	seq.s32 s7, s2  }
0x1e: {  	s7 =	smul.u32 @!p0 $0xF7A, s2;
	p2 =	seq.s32 @!p0 s5, $0x0  }
0x1f: {  	s9 =	smul.u32 $0xF7A, s1;
	s8 =	simm.s32 @!p0 $0x1BF5;
	p2 =	por !p2, p0  }
0x20: {  	[sflag:s8] =	ssyncset.s32 @!p0 $0xFFFFF086;
	s6 =	sadd.s32 @!p0 s3, s7;
	s7 =	simm.s32 @!p0 $0x108  }
0x21: {  	s3 =	sadd.s32 s3, s9;
	s6 =	sadd.s32 @!p0 $0x88, s6;
	s7 =	simm.s32 @p2 $0x1082  }
0x22: {  	[simem:s7], [sflag:s8] =	dma.local @!p0 [hbm:s6], $0xF7A  }
0x23: {  	s9 =	sor.u32 $0xD0000000, s2;
	s6 =	simm.s32 $0x108;
	_ =	swait.ge @!p0 [sflag:s8], $0x0  }
0x24: {  	s3 =	sadd.s32 $0x88, s3;
	s6 =	simm.s32 @!p1 $0x1082;
	[sflag:s4] =	ssyncset.s32 $0xFFFFF086  }
0x25: {  	[simem:s6], [sflag:s4] =	dma.local [hbm:s3], $0xF7A  }
0x26: {  	[smem:$0x3F8D] =	sst s1;
	(tag) =	ssettag s2;
	_ =	strace s9  }
0x27: {  	s1 =	sld [smem:$0x3F9D]  }
0x28: {  	s2 =	sld [smem:$0x3F9E]  }
0x29: {  	s4 =	sld [smem:$0x3FA0]  }
0x2a: {  	p0 =	seq.s32 s5, $0x0;
	s5 =	sld [smem:$0x3FA1]  }
0x2b: {  	s6 =	sld [smem:$0x3FA2]  }
0x2c: {  	s7 =	sld [smem:$0x3FA3]  }
0x2d: {  	s3 =	simm.s32 $0x108;
	s8 =	sld [smem:$0x3FA4]  }
0x2e: {  	s3 =	simm.s32 @!p0 $0x1082;
	s9 =	sld [smem:$0x3FA5]  }
0x2f: {  	lr =	sadd.s32 s0, s3;
	s0 =	sld [smem:$0x3F9C]  }
0x30: {  	s3 =	sld [smem:$0x3F9F]  }
0x31: {  	[smem:$0x3FA8] =	sst s10  }
0x32: {  	s10 =	sld [smem:$0x3FA6];
	_ =	sdelay $0x3  }
0x33: {  	p0 =	seq.s32 s10, $0x1;
	s10 =	sld [smem:$0x3FA8];
	_ =	sdelay $0x3  }
0x34: {  	[smem:$0x3FA8] =	sst s10  }
0x35: {  	s10 =	sld [smem:$0x3FA7];
	_ =	sdelay $0x3  }
0x36: {  	p1 =	seq.s32 s10, $0x1;
	s10 =	sld [smem:$0x3FA8];
	_ =	sdelay $0x3  }
0x37: {  	[smem:$0x3FA8] =	sst s10  }
0x38: {  	s10 =	sld [smem:$0x3FA9]  }
0x39: {  	_ = 	snop;
	(pc) =	sbr.ind lr, $3  }
0x3a: {  	_ = 	snop  }
0x3b: {  	_ = 	snop  }
0x3c: {  	p2 =	seq.s32 s10, $0x1;
	s10 =	sld [smem:$0x3FA8]  }
0x3d: {  	_ =	shalt  }
0x3e: {  	_ =	shalt  }
0x3f: {  	_ =	shalt  }
0x40: {  	_ =	shalt  }
0x41: {  	_ =	shalt  }
0x42: {  	_ =	shalt  }
0x43: {  	_ =	shalt  }
0x44: {  	_ =	shalt  }
0x45: {  	_ =	shalt  }
0x46: {  	_ =	shalt  }
0x47: {  	_ =	shalt  }
0x48: {  	_ =	shalt  }
0x49: {  	_ =	shalt  }
0x4a: {  	_ =	shalt  }
0x4b: {  	_ =	shalt  }
0x4c: {  	_ =	shalt  }
0x4d: {  	_ =	shalt  }
0x4e: {  	_ =	shalt  }
0x4f: {  	_ =	shalt  }
0x50: {  	_ =	shalt  }
0x51: {  	_ =	shalt  }
0x52: {  	_ =	shalt  }
0x53: {  	_ =	shalt  }
0x54: {  	_ =	shalt  }
0x55: {  	_ =	shalt  }
0x56: {  	_ =	shalt  }
0x57: {  	_ =	shalt  }
0x58: {  	_ =	shalt  }
0x59: {  	_ =	shalt  }
0x5a: {  	_ =	shalt  }
0x5b: {  	_ =	shalt  }
0x5c: {  	_ =	shalt  }
0x5d: {  	_ =	shalt  }
0x5e: {  	_ =	shalt  }
0x5f: {  	_ =	shalt  }
0x60: {  	_ =	shalt  }
0x61: {  	_ =	shalt  }
0x62: {  	_ =	shalt  }
0x63: {  	_ =	shalt  }
0x64: {  	_ =	shalt  }
0x65: {  	_ =	shalt  }
0x66: {  	_ =	shalt  }
0x67: {  	_ =	shalt  }
0x68: {  	_ =	shalt  }
0x69: {  	_ =	shalt  }
0x6a: {  	_ =	shalt  }
0x6b: {  	_ =	shalt  }
0x6c: {  	_ =	shalt  }
0x6d: {  	_ =	shalt  }
0x6e: {  	_ =	shalt  }
0x6f: {  	_ =	shalt  }
0x70: {  	_ =	shalt  }
0x71: {  	_ =	shalt  }
0x72: {  	_ =	shalt  }
0x73: {  	_ =	shalt  }
0x74: {  	_ =	shalt  }
0x75: {  	_ =	shalt  }
0x76: {  	_ =	shalt  }
0x77: {  	_ =	shalt  }
0x78: {  	_ =	shalt  }
0x79: {  	_ =	shalt  }
0x7a: {  	_ =	shalt  }
0x7b: {  	_ =	shalt  }
0x7c: {  	_ =	shalt  }
0x7d: {  	_ =	shalt  }
0x7e: {  	_ =	shalt  }
0x7f: {  	_ =	shalt  }
0x80: {  	_ =	shalt  }
0x81: {  	_ =	shalt  }
0x82: {  	_ =	shalt  }
0x83: {  	_ =	shalt  }
0x84: {  	_ =	shalt  }
0x85: {  	_ =	shalt  }
0x86: {  	_ =	shalt  }
0x87: {  	_ =	shalt  }
.Lfunc_end0:
.L_simem_size_0:
called_computation_lowered:
.L_overlay_start_0:
0x88: {  	s2 =	sld [smem:$0x3FD9]  }
0x89: {  	s3 =	sld [smem:$0x3FFE];
	_ =	sdelay $0x1  }
0x8a: {  	s1 =	srdreg.scid  }
0x8b: {  	s0 =	sand.u32 $0x1, s1  }
0x8c: {  	s17 =	sshll.u32 s0, $0xA;
	s2 =	sadd.s32 s3, s2  }
0x8d: {  	s2 =	sadd.s32 s2, s17  }
0x8e: {  	[smem:$0x3FB4] =	sst s2  }
0x8f: {  	_ = 	snop  }
0x90: {  	(tm) =	ssettm $0x1  }
0x91: {  	s18 =	sld [smem:$0x3FFB];
	_ =	sdelay $0x3  }
0x92: {  	_ =	strace s18  }
0x93: {  	s2 =	sld [smem:$0x3FFC];
	_ =	sdelay $0x3  }
0x94: {  	_ =	strace s2  }
0x95: {  	s2 =	sld [smem:$0x3FFD];
	_ =	sdelay $0x3  }
0x96: {  	_ =	strace s2  }
0x97: {  	_ =	strace $0x8FFFFFFF  }
0x98: {  	s19 =	sld [smem:$0x3FDB];
	_ =	sdelay $0x1  }
0x99: {  	s20 =	simm.s32 $_scs_section_size  }
0x9a: {  	s4 =	simm.s32 $_size__tile_overlayer_lowered;
	s5 =	simm.s32 $_tile_overlayer_lowered  }
0x9b: {  	s6 =	simm.s32 $0x1BFF;
	s21 =	sshll.u32 s5, $0x1;
	s3 =	sadd.s32 s20, s19  }
0x9c: {  	s22 =	simm.s32 $0x0;
	s4 =	sshll.u32 s4, $0x1;
	s5 =	sadd.s32 s21, s3  }
0x9d: {  	[timem:s22], [sflag:s6] =	dma.local [hbm:s5], s4  }
0x9e: {  	_ =	swait.ge [sflag:s6], s4  }
0x9f: {  	s4 =	ssub.s32 $0x0, s4;
	[sflag:s6] =	ssyncset.done $0x0  }
0xa0: {  	[sflag:s6] =	ssyncadd.s32 s4;
	_ =	sdelay $0x1  }
0xa1: {  	s23 =	simm.s32 $0x1B8B  }
0xa2: {  	_ =	swait.ge [sflag:s23], $0x1  }
0xa3: {  	[sflag:s23] =	ssyncset.done $0x0  }
0xa4: {  	[sflag:s23] =	ssyncadd.s32 $0xFFFFFFFF  }
0xa5: {  	s4 =	sld [smem:$0x0]  }
0xa6: {  	s5 =	sand.u32 $0xFFFFFFFE, s1  }
0xa7: {  	p0 =	sne.s32 s1, s5  }
0xa8: {  	s5 =	sshll.u32 @p0 s5, $0xE  }
0xa9: {  	s5 =	sadd.s32 @p0 $0x11B8D, s5;
	s6 =	sshll.u32 @p0 s4, $0x11  }
0xaa: {  	s5 =	sor.u32 @p0 s6, s5  }
0xab: {  	[sflag:s5] =	ssyncadd.remote.s32 @p0 $0x1;
	_ =	sdelay $0x1  }
0xac: {  	s5 =	simm.s32 @p0 $0x1B8D  }
0xad: {  	_ =	swait.eq @p0 [sflag:s5], $0x1  }
0xae: {  	[sflag:s5] =	ssyncadd.s32 @p0 $0xFFFFFFFF  }
0xaf: {  	s6 =	sshll.u32 @!p0 s1, $0xE  }
0xb0: {  	s6 =	sor.u32 @!p0 $0x4000, s6;
	s5 =	simm.s32 @!p0 $0x1B8D  }
0xb1: {  	s4 =	sshll.u32 @!p0 s4, $0x11;
	s6 =	sadd.s32 @!p0 $0x11B8D, s6;
	_ =	swait.eq @!p0 [sflag:s5], $0x1  }
0xb2: {  	s4 =	sor.u32 @!p0 s4, s6;
	[sflag:s5] =	ssyncadd.s32 @!p0 $0xFFFFFFFF  }
0xb3: {  	s25 =	simm.s32 $0x1B8E;
	s24 =	sld [smem:$0x3FFE];
	[sflag:s4] =	ssyncadd.remote.s32 @!p0 $0x1  }
0xb4: {  	s26 =	simm.s32 $execute0_lowered;
	[smem:$0x3FD2] =	sst s25  }
0xb5: {  	s5 =	sshll.u32 s26, $0x1;
	_ =	strace $0x8000004F;
	[dreg:$0x1] =	wrdreg $0xFFFFFFFF  }
0xb6: {  	s28 =	simm.s32 $_size_execute0_lowered;
	s3 =	sadd.s32 s3, s5;
	[dreg:$0x0] =	wrdreg $0x0  }
0xb7: {  	s5 =	sshll.u32 s28, $0x1;
	[dreg:$0x2] =	wrdreg s3  }
0xb8: {  	[dreg:$0x3] =	wrdreg s5  }
0xb9: {  	[dreg:$0x4] =	wrdreg $0xC0  }
0xba: {  	_ =	task [dreg:s22], $0x5FFFF  }
0xbb: {  	[dreg:$0x1] =	wrdreg $0xFFFFFFFF  }
0xbc: {  	[dreg:$0x0] =	wrdreg $0x60  }
0xbd: {  	[dreg:$0x2] =	wrdreg s24  }
0xbe: {  	[dreg:$0x3] =	wrdreg $0x9  }
0xbf: {  	_ =	task.clear_ibuf [dreg:s22], $0x4FFFF;
	_ =	strace $0x9000004F  }
0xc0: {  	s29 =	simm.s32 $0x9;
	_ =	strace $0x80000051  }
0xc1: {  	_ =	swait.ge [sflag:s29], $0x1  }
0xc2: {  	[sflag:s29] =	ssyncadd.s32 $0xFFFFFFFF  }
0xc3: {  	_ =	strace $0x90000051  }
0xc4: {  	_ =	sfence  }
0xc5: {  	s30 =	sld [smem:$0x0];
	_ =	sdelay $0x2  }
0xc6: {  	s31 =	sshll.u32 s1, $0xD;
	s1 =	sshrl.u32 s1, $0x2  }
0xc7: {  	s4 =	sand.u32 $0x4000, s31;
	s1 =	sadd.s32 s1, s30  }
0xc8: {  	s0 =	sor.u32 s4, s0;
	s1 =	sshll.u32 s1, $0x11  }
0xc9: {  	s0 =	sor.u32 s1, s0  }
0xca: {  	s0 =	sadd.s32 $0x8F2B, s0  }
0xcb: {  	[sflag:s0] =	ssyncadd.remote.s32 $0x1  }
0xcc: {  	_ =	sfence.sel $0xFFFF  }
0xcd: {  	[dreg:$0x0] =	wrdreg $0xFFFFFFFF;
	(pc) =	sbr.abs _section_cstart, $3  }
0xce: {  	[dreg:$0x1] =	wrdreg $0xFFFFFFFF  }
0xcf: {  	_ =	task.clear_ibuf [dreg:s22], $0x2FFFF;
	_ =	strace $0x9FFFFFFF  }
0xd0: {  	(tm) =	ssettm $0x7FFFFFFF  }
0xd1: {  	_ =	shalt  }
tec
execute0_lowered:
.L_overlay_start_1:
0x0: {  	(tag) =	ssettag $0x1  }
0x1: {  	s4 =	rddreg [dreg:$0x0]  }
0x2: {  	s0 =	rddreg [dreg:$0x1];
	s2 =	simm.s32 $0x0;
	s5 =	srdreg.scid  }
0x3: {  	s1 =	stileid.u32;
	s10 =	simm.s32 $0x0;
	[smem:$0x7FF] =	sst s2  }
0x4: {  	s3 =	sadd.s32 $0xD800, s4;
	s5 =	sand.u32 $0x1, s5;
	s6 =	sshll.u32 s1, $0xB  }
0x5: {  	s8 =	smul.u32 $0x9000, s1;
	_ =	strace $0x80000050;
	s7 =	sshll.u32 s5, $0xA  }
0x6: {  	s9 =	ssub.s32 $0x2, s5;
	s5 =	smul.u32 $0x4800, s5;
	s6 =	sor.u32 s7, s6  }
0x7: {  	s30 =	sshrl.u32 s9, $0x1;
	s8 =	sadd.s32 s8, s4;
	s6 =	sshrl.u32 s6, $0x3  }
0x8: {  	s7 =	ssub.s32 s9, s30;
	s31 =	sadd.s32 s5, s8;
	s8 =	simm.s32 $0x80  }
0x9: {  	s9 =	simm.s32 $0x1;
	s6 =	sadd.s32 s6, s4;
	s4 =	smax.u32 s7, $0x1  }
0xa: {  	s7 =	simm.s32 $0x2;
	s5 =	sadd.s32 $0x1E3800, s6;
	s6 =	sadd.s32 $0x1E4800, s31  }
.LBB2_1:
0xb: {  	s11 =	sadd.s32 $0x0, s5  }
0xc: {  	[tilespmem:s2], [sflag:$0x2] =	stream.linear.gather [hbm4b:s11+s2], $0x80, $0x38;
	[tilespmem:$0x4880] =	vst v63  }
0xd: {  	_ =	swait.ge [sflag:s7], $0x80  }
0xe: {  	[sflag:s7] =	ssyncset.done $0x0  }
0xf: {  	[sflag:s7] =	ssyncadd.s32 $0xFFFFFF80  }
0x10: {  	[tilespmem:s8], [sflag:$0x1] =	stream.indirect.gather [hbm4b:s3+s8], $0x90, s2, s8, $0xb8;
	[tilespmem:$0x4880] =	vst v63  }
0x11: {  	_ =	swait.ge [sflag:s9], $0x4800  }
0x12: {  	[sflag:s9] =	ssyncset.done $0x0  }
0x13: {  	[sflag:s9] =	ssyncadd.s32 $0xFFFFB800  }
0x14: {  	[hbm4b:s6+s2] =	stream.linear.scatter [tilespmem:s8], [sflag:$0x2], $0x4800, $0x38;
	[tilespmem:$0x4880] =	vst v63  }
0x15: {  	s12 =	simm.s32 $0x10;
	_ =	swait.ge [sflag:s7], $0x4800  }
0x16: {  	s13 =	simm.s32 $0x20;
	s11 =	sadd.s32 $0x900, s6;
	[sflag:s7] =	ssyncset.done $0x0  }
.LBB2_2:
0x17: {  	s14 =	sadd.s32 s12, s5  }
0x18: {  	[sflag:s7] =	ssyncadd.s32 $0xFFFFB800;
	s12 =	smov.u32 s13;
	s15 =	sadd.s32 $0x10, s13  }
0x19: {  	[tilespmem:s2], [sflag:$0x2] =	stream.linear.gather [hbm4b:s14+s2], $0x80, $0x38;
	[tilespmem:$0x4880] =	vst v63  }
0x1a: {  	p0 =	sne.s32 s13, $0x70;
	_ =	swait.ge [sflag:s7], $0x80  }
0x1b: {  	[sflag:s7] =	ssyncset.done $0x0  }
0x1c: {  	[sflag:s7] =	ssyncadd.s32 $0xFFFFFF80  }
0x1d: {  	[tilespmem:s8], [sflag:$0x1] =	stream.indirect.gather [hbm4b:s3+s8], $0x90, s2, s8, $0xb8;
	[tilespmem:$0x4880] =	vst v63  }
0x1e: {  	_ =	swait.ge [sflag:s9], $0x4800  }
.Ltmp0:
0x1f: {  	[sflag:s9] =	ssyncset.done $0x0;
	(pc) =	sbr.rel @p0 .LBB2_2-.Ltmp0, $4  }
0x20: {  	[sflag:s9] =	ssyncadd.s32 $0xFFFFB800  }
0x21: {  	[hbm4b:s11+s2] =	stream.linear.scatter [tilespmem:s8], [sflag:$0x2], $0x4800, $0x38;
	[tilespmem:$0x4880] =	vst v63  }
0x22: {  	_ =	swait.ge [sflag:s7], $0x4800  }
0x23: {  	s13 =	smov.u32 s15;
	s11 =	sadd.s32 $0x900, s11;
	[sflag:s7] =	ssyncset.done $0x0  }
0x24: {  	s12 =	sadd.s32 s12, s5;
	[sflag:s7] =	ssyncadd.s32 $0xFFFFB800  }
0x25: {  	[tilespmem:s2], [sflag:$0x2] =	stream.linear.gather [hbm4b:s12+s2], $0x80, $0x38;
	[tilespmem:$0x4880] =	vst v63  }
0x26: {  	_ =	swait.ge [sflag:s7], $0x80  }
0x27: {  	[sflag:s7] =	ssyncset.done $0x0  }
0x28: {  	[sflag:s7] =	ssyncadd.s32 $0xFFFFFF80  }
0x29: {  	[tilespmem:s8], [sflag:$0x1] =	stream.indirect.gather [hbm4b:s3+s8], $0x90, s2, s8, $0xb8;
	[tilespmem:$0x4880] =	vst v63  }
0x2a: {  	s10 =	sadd.s32 $0x1, s10;
	_ =	swait.ge [sflag:s9], $0x4800  }
0x2b: {  	p0 =	sne.s32 s10, s4;
	[sflag:s9] =	ssyncset.done $0x0  }
.Ltmp1:
0x2c: {  	[sflag:s9] =	ssyncadd.s32 $0xFFFFB800;
	(pc) =	sbr.rel @p0 .LBB2_1-.Ltmp1, $4  }
0x2d: {  	[hbm4b:s11+s2] =	stream.linear.scatter [tilespmem:s8], [sflag:$0x2], $0x4800, $0x38;
	[tilespmem:$0x4880] =	vst v63  }
0x2e: {  	_ =	swait.ge [sflag:s7], $0x4800  }
0x2f: {  	[sflag:s7] =	ssyncset.done $0x0  }
0x30: {  	[sflag:s7] =	ssyncadd.s32 $0xFFFFB800  }
0x31: {  	_ =	sfence.sel $0x180000  }
0x32: {  	[bflag:$0x0] =	sbarrier.arrive $0xFFFF  }
0x33: {  	p0 =	sne.s32 s1, $0x0;
	_ =	strace $0x90000050  }
0x34: {  	s0 =	sadd.s32 @!p0 $0x100000, s0;
	[bflag:$0x2] =	sbarrier.arrive $0xFFFF  }
0x35: {  	[sflag:s0] =	ssyncadd.tile.s32 @!p0 $0x1;
	_ =	shalt  }
.Lfunc_end2:
_tile_overlayer_lowered:
.L_overlay_start_2:
0x36: {  	(tag) =	ssettag $0x2  }
0x37: {  	s0 =	rddreg [dreg:$0x0];
	s2 =	stileid.u32  }
0x38: {  	s1 =	rddreg [dreg:$0x1];
	p0 =	sne.s32 s2, $0x0  }
0x39: {  	s3 =	rddreg [dreg:$0x2];
	[bflag:$0x3] =	sbarrier.arrive $0xFFFF;
	s2 =	simm.s32 @!p0 $0x1C02  }
0x3a: {  	[timem:s3], [sflag:s2] =	dma.local @!p0 [hbm:s0], s1  }
0x3b: {  	s0 =	simm.s32 @!p0 $0x2  }
0x3c: {  	_ =	swait.ge @!p0 [sflag:s0], s1  }
0x3d: {  	s1 =	ssub.s32 @!p0 $0x0, s1;
	[sflag:s0] =	ssyncset.done @!p0 $0x0  }
0x3e: {  	[sflag:s0] =	ssyncadd.s32 @!p0 s1  }
0x3f: {  	[bflag:$0x3] =	sbarrier.arrive $0xFFFF  }
0x40: {  	_ =	shalt  }

// kernel: kernel.18.cloned.1.call-start
scs
__scs_entry_jumppad:
0x0: {  	(pc) =	sbr.rel $0x88, $3  }
0x1: {  	(tag) =	ssettag $0x0;
	lr =	simm.s32 $0x1  }
0x2: {  	[smem:$0x3F8D] =	sst lr;
	_ =	strace $0xD0000000  }
0x3: {  	_ = 	snop  }
0x4: {  	_ = 	snop  }
0x5: {  	_ = 	snop  }
0x6: {  	_ = 	snop  }
0x7: {  	_ = 	snop  }
__scs_overlays_trampoline_lowered:
0x8: {  	[smem:$0x3F9C] =	sst s0  }
0x9: {  	[smem:$0x3F9D] =	sst s1  }
0xa: {  	[smem:$0x3F9E] =	sst s2  }
0xb: {  	[smem:$0x3F9F] =	sst s3  }
0xc: {  	[smem:$0x3FA0] =	sst s4  }
0xd: {  	[smem:$0x3FA1] =	sst s5  }
0xe: {  	[smem:$0x3FA2] =	sst s6  }
0xf: {  	[smem:$0x3FA3] =	sst s7  }
0x10: {  	[smem:$0x3FA4] =	sst s8  }
0x11: {  	[smem:$0x3FA5] =	sst s9;
	s0 =	simm.s32 @!p0 $0x0  }
0x12: {  	s1 =	sld [smem:$0x3F8B];
	s0 =	simm.s32 @p0 $0x1  }
0x13: {  	[smem:$0x3FA6] =	sst s0;
	s0 =	simm.s32 @!p1 $0x0  }
0x14: {  	s2 =	sld [smem:$0x3F8A];
	s0 =	simm.s32 @p1 $0x1  }
0x15: {  	[smem:$0x3FA7] =	sst s0;
	s0 =	simm.s32 @!p2 $0x0  }
0x16: {  	s3 =	sld [smem:$0x3FDB];
	s0 =	simm.s32 @p2 $0x1  }
0x17: {  	s4 =	simm.s32 $0x1BF5;
	[smem:$0x3FA9] =	sst s0  }
0x18: {  	s0 =	sld [smem:$0x3F8C];
	_ =	swait.ge [sflag:s4], $0x0  }
0x19: {  	s7 =	sld [smem:$0x3F8D]  }
0x1a: {  	s8 =	sadd.s32 $0xFFFFE003, lr  }
0x1b: {  	s9 =	sadd.s32 $0xFFFFFEF7, lr;
	s5 =	simm.s32 $0xFFFFFFFF;
	p2 =	slt.u32 s8, $0xFFFFF086  }
0x1c: {  	p1 =	slt.u32 s9, $0xF7A;
	s5 =	simm.s32 @!p2 $0x0  }
0x1d: {  	s5 =	simm.s32 @p1 $0x1;
	p0 =	seq.s32 s7, s2  }
0x1e: {  	s7 =	smul.u32 @!p0 $0xF7A, s2;
	p2 =	seq.s32 @!p0 s5, $0x0  }
0x1f: {  	s9 =	smul.u32 $0xF7A, s1;
	s8 =	simm.s32 @!p0 $0x1BF5;
	p2 =	por !p2, p0  }
0x20: {  	[sflag:s8] =	ssyncset.s32 @!p0 $0xFFFFF086;
	s6 =	sadd.s32 @!p0 s3, s7;
	s7 =	simm.s32 @!p0 $0x108  }
0x21: {  	s3 =	sadd.s32 s3, s9;
	s6 =	sadd.s32 @!p0 $0x88, s6;
	s7 =	simm.s32 @p2 $0x1082  }
0x22: {  	[simem:s7], [sflag:s8] =	dma.local @!p0 [hbm:s6], $0xF7A  }
0x23: {  	s9 =	sor.u32 $0xD0000000, s2;
	s6 =	simm.s32 $0x108;
	_ =	swait.ge @!p0 [sflag:s8], $0x0  }
0x24: {  	s3 =	sadd.s32 $0x88, s3;
	s6 =	simm.s32 @!p1 $0x1082;
	[sflag:s4] =	ssyncset.s32 $0xFFFFF086  }
0x25: {  	[simem:s6], [sflag:s4] =	dma.local [hbm:s3], $0xF7A  }
0x26: {  	[smem:$0x3F8D] =	sst s1;
	(tag) =	ssettag s2;
	_ =	strace s9  }
0x27: {  	s1 =	sld [smem:$0x3F9D]  }
0x28: {  	s2 =	sld [smem:$0x3F9E]  }
0x29: {  	s4 =	sld [smem:$0x3FA0]  }
0x2a: {  	p0 =	seq.s32 s5, $0x0;
	s5 =	sld [smem:$0x3FA1]  }
0x2b: {  	s6 =	sld [smem:$0x3FA2]  }
0x2c: {  	s7 =	sld [smem:$0x3FA3]  }
0x2d: {  	s3 =	simm.s32 $0x108;
	s8 =	sld [smem:$0x3FA4]  }
0x2e: {  	s3 =	simm.s32 @!p0 $0x1082;
	s9 =	sld [smem:$0x3FA5]  }
0x2f: {  	lr =	sadd.s32 s0, s3;
	s0 =	sld [smem:$0x3F9C]  }
0x30: {  	s3 =	sld [smem:$0x3F9F]  }
0x31: {  	[smem:$0x3FA8] =	sst s10  }
0x32: {  	s10 =	sld [smem:$0x3FA6];
	_ =	sdelay $0x3  }
0x33: {  	p0 =	seq.s32 s10, $0x1;
	s10 =	sld [smem:$0x3FA8];
	_ =	sdelay $0x3  }
0x34: {  	[smem:$0x3FA8] =	sst s10  }
0x35: {  	s10 =	sld [smem:$0x3FA7];
	_ =	sdelay $0x3  }
0x36: {  	p1 =	seq.s32 s10, $0x1;
	s10 =	sld [smem:$0x3FA8];
	_ =	sdelay $0x3  }
0x37: {  	[smem:$0x3FA8] =	sst s10  }
0x38: {  	s10 =	sld [smem:$0x3FA9]  }
0x39: {  	_ = 	snop;
	(pc) =	sbr.ind lr, $3  }
0x3a: {  	_ = 	snop  }
0x3b: {  	_ = 	snop  }
0x3c: {  	p2 =	seq.s32 s10, $0x1;
	s10 =	sld [smem:$0x3FA8]  }
0x3d: {  	_ =	shalt  }
0x3e: {  	_ =	shalt  }
0x3f: {  	_ =	shalt  }
0x40: {  	_ =	shalt  }
0x41: {  	_ =	shalt  }
0x42: {  	_ =	shalt  }
0x43: {  	_ =	shalt  }
0x44: {  	_ =	shalt  }
0x45: {  	_ =	shalt  }
0x46: {  	_ =	shalt  }
0x47: {  	_ =	shalt  }
0x48: {  	_ =	shalt  }
0x49: {  	_ =	shalt  }
0x4a: {  	_ =	shalt  }
0x4b: {  	_ =	shalt  }
0x4c: {  	_ =	shalt  }
0x4d: {  	_ =	shalt  }
0x4e: {  	_ =	shalt  }
0x4f: {  	_ =	shalt  }
0x50: {  	_ =	shalt  }
0x51: {  	_ =	shalt  }
0x52: {  	_ =	shalt  }
0x53: {  	_ =	shalt  }
0x54: {  	_ =	shalt  }
0x55: {  	_ =	shalt  }
0x56: {  	_ =	shalt  }
0x57: {  	_ =	shalt  }
0x58: {  	_ =	shalt  }
0x59: {  	_ =	shalt  }
0x5a: {  	_ =	shalt  }
0x5b: {  	_ =	shalt  }
0x5c: {  	_ =	shalt  }
0x5d: {  	_ =	shalt  }
0x5e: {  	_ =	shalt  }
0x5f: {  	_ =	shalt  }
0x60: {  	_ =	shalt  }
0x61: {  	_ =	shalt  }
0x62: {  	_ =	shalt  }
0x63: {  	_ =	shalt  }
0x64: {  	_ =	shalt  }
0x65: {  	_ =	shalt  }
0x66: {  	_ =	shalt  }
0x67: {  	_ =	shalt  }
0x68: {  	_ =	shalt  }
0x69: {  	_ =	shalt  }
0x6a: {  	_ =	shalt  }
0x6b: {  	_ =	shalt  }
0x6c: {  	_ =	shalt  }
0x6d: {  	_ =	shalt  }
0x6e: {  	_ =	shalt  }
0x6f: {  	_ =	shalt  }
0x70: {  	_ =	shalt  }
0x71: {  	_ =	shalt  }
0x72: {  	_ =	shalt  }
0x73: {  	_ =	shalt  }
0x74: {  	_ =	shalt  }
0x75: {  	_ =	shalt  }
0x76: {  	_ =	shalt  }
0x77: {  	_ =	shalt  }
0x78: {  	_ =	shalt  }
0x79: {  	_ =	shalt  }
0x7a: {  	_ =	shalt  }
0x7b: {  	_ =	shalt  }
0x7c: {  	_ =	shalt  }
0x7d: {  	_ =	shalt  }
0x7e: {  	_ =	shalt  }
0x7f: {  	_ =	shalt  }
0x80: {  	_ =	shalt  }
0x81: {  	_ =	shalt  }
0x82: {  	_ =	shalt  }
0x83: {  	_ =	shalt  }
0x84: {  	_ =	shalt  }
0x85: {  	_ =	shalt  }
0x86: {  	_ =	shalt  }
0x87: {  	_ =	shalt  }
.Lfunc_end0:
.L_simem_size_0:
called_computation.1_lowered:
.L_overlay_start_0:
0x88: {  	s2 =	sld [smem:$0x3FD9]  }
0x89: {  	s3 =	sld [smem:$0x3FFE];
	_ =	sdelay $0x1  }
0x8a: {  	s1 =	srdreg.scid  }
0x8b: {  	s0 =	sand.u32 $0x1, s1  }
0x8c: {  	s17 =	sshll.u32 s0, $0xA;
	s2 =	sadd.s32 s3, s2  }
0x8d: {  	s2 =	sadd.s32 s2, s17  }
0x8e: {  	[smem:$0x3FB4] =	sst s2  }
0x8f: {  	_ = 	snop  }
0x90: {  	(tm) =	ssettm $0x1  }
0x91: {  	s18 =	sld [smem:$0x3FFB];
	_ =	sdelay $0x3  }
0x92: {  	_ =	strace s18  }
0x93: {  	s2 =	sld [smem:$0x3FFC];
	_ =	sdelay $0x3  }
0x94: {  	_ =	strace s2  }
0x95: {  	s2 =	sld [smem:$0x3FFD];
	_ =	sdelay $0x3  }
0x96: {  	_ =	strace s2  }
0x97: {  	_ =	strace $0x8FFFFFFF  }
0x98: {  	s19 =	sld [smem:$0x3FDB];
	_ =	sdelay $0x1  }
0x99: {  	s20 =	simm.s32 $_scs_section_size  }
0x9a: {  	s4 =	simm.s32 $_size__tile_overlayer_lowered;
	s5 =	simm.s32 $_tile_overlayer_lowered  }
0x9b: {  	s6 =	simm.s32 $0x1BFF;
	s21 =	sshll.u32 s5, $0x1;
	s3 =	sadd.s32 s20, s19  }
0x9c: {  	s22 =	simm.s32 $0x0;
	s4 =	sshll.u32 s4, $0x1;
	s5 =	sadd.s32 s21, s3  }
0x9d: {  	[timem:s22], [sflag:s6] =	dma.local [hbm:s5], s4  }
0x9e: {  	_ =	swait.ge [sflag:s6], s4  }
0x9f: {  	s4 =	ssub.s32 $0x0, s4;
	[sflag:s6] =	ssyncset.done $0x0  }
0xa0: {  	[sflag:s6] =	ssyncadd.s32 s4;
	_ =	sdelay $0x1  }
0xa1: {  	s23 =	simm.s32 $0x1B8B  }
0xa2: {  	_ =	swait.ge [sflag:s23], $0x1  }
0xa3: {  	[sflag:s23] =	ssyncset.done $0x0  }
0xa4: {  	[sflag:s23] =	ssyncadd.s32 $0xFFFFFFFF  }
0xa5: {  	s4 =	sld [smem:$0x0]  }
0xa6: {  	s5 =	sand.u32 $0xFFFFFFFE, s1  }
0xa7: {  	p0 =	sne.s32 s1, s5  }
0xa8: {  	s5 =	sshll.u32 @p0 s5, $0xE  }
0xa9: {  	s5 =	sadd.s32 @p0 $0x11B8D, s5;
	s6 =	sshll.u32 @p0 s4, $0x11  }
0xaa: {  	s5 =	sor.u32 @p0 s6, s5  }
0xab: {  	[sflag:s5] =	ssyncadd.remote.s32 @p0 $0x1;
	_ =	sdelay $0x1  }
0xac: {  	s5 =	simm.s32 @p0 $0x1B8D  }
0xad: {  	_ =	swait.eq @p0 [sflag:s5], $0x1  }
0xae: {  	[sflag:s5] =	ssyncadd.s32 @p0 $0xFFFFFFFF  }
0xaf: {  	s6 =	sshll.u32 @!p0 s1, $0xE  }
0xb0: {  	s6 =	sor.u32 @!p0 $0x4000, s6;
	s5 =	simm.s32 @!p0 $0x1B8D  }
0xb1: {  	s4 =	sshll.u32 @!p0 s4, $0x11;
	s6 =	sadd.s32 @!p0 $0x11B8D, s6;
	_ =	swait.eq @!p0 [sflag:s5], $0x1  }
0xb2: {  	s4 =	sor.u32 @!p0 s4, s6;
	[sflag:s5] =	ssyncadd.s32 @!p0 $0xFFFFFFFF  }
0xb3: {  	s25 =	simm.s32 $0x1B8E;
	s24 =	sld [smem:$0x3FFE];
	[sflag:s4] =	ssyncadd.remote.s32 @!p0 $0x1  }
0xb4: {  	s26 =	simm.s32 $execute0_lowered;
	[smem:$0x3FD2] =	sst s25  }
0xb5: {  	s5 =	sshll.u32 s26, $0x1;
	_ =	strace $0x8000004C;
	[dreg:$0x1] =	wrdreg $0xFFFFFFFF  }
0xb6: {  	s28 =	simm.s32 $_size_execute0_lowered;
	s3 =	sadd.s32 s3, s5;
	[dreg:$0x0] =	wrdreg $0x0  }
0xb7: {  	s5 =	sshll.u32 s28, $0x1;
	[dreg:$0x2] =	wrdreg s3  }
0xb8: {  	[dreg:$0x3] =	wrdreg s5  }
0xb9: {  	[dreg:$0x4] =	wrdreg $0xC0  }
0xba: {  	_ =	task [dreg:s22], $0x5FFFF  }
0xbb: {  	[dreg:$0x1] =	wrdreg $0xFFFFFFFF  }
0xbc: {  	[dreg:$0x0] =	wrdreg $0x60  }
0xbd: {  	[dreg:$0x2] =	wrdreg s24  }
0xbe: {  	[dreg:$0x3] =	wrdreg $0xA  }
0xbf: {  	_ =	task.clear_ibuf [dreg:s22], $0x4FFFF;
	_ =	strace $0x9000004C  }
0xc0: {  	s29 =	simm.s32 $0xA;
	_ =	strace $0x8000004E  }
0xc1: {  	_ =	swait.ge [sflag:s29], $0x1  }
0xc2: {  	[sflag:s29] =	ssyncadd.s32 $0xFFFFFFFF  }
0xc3: {  	_ =	strace $0x9000004E  }
0xc4: {  	_ =	sfence  }
0xc5: {  	s30 =	sld [smem:$0x0];
	_ =	sdelay $0x2  }
0xc6: {  	s31 =	sshll.u32 s1, $0xD;
	s1 =	sshrl.u32 s1, $0x2  }
0xc7: {  	s4 =	sand.u32 $0x4000, s31;
	s1 =	sadd.s32 s1, s30  }
0xc8: {  	s0 =	sor.u32 s4, s0;
	s1 =	sshll.u32 s1, $0x11  }
0xc9: {  	s0 =	sor.u32 s1, s0  }
0xca: {  	s0 =	sadd.s32 $0x8F2B, s0  }
0xcb: {  	[sflag:s0] =	ssyncadd.remote.s32 $0x1  }
0xcc: {  	_ =	sfence.sel $0xFFFF  }
0xcd: {  	[dreg:$0x0] =	wrdreg $0xFFFFFFFF;
	(pc) =	sbr.abs _section_cstart, $3  }
0xce: {  	[dreg:$0x1] =	wrdreg $0xFFFFFFFF  }
0xcf: {  	_ =	task.clear_ibuf [dreg:s22], $0x2FFFF;
	_ =	strace $0x9FFFFFFF  }
0xd0: {  	(tm) =	ssettm $0x7FFFFFFF  }
0xd1: {  	_ =	shalt  }
tec
execute0_lowered:
.L_overlay_start_1:
0x0: {  	(tag) =	ssettag $0x1  }
0x1: {  	s4 =	rddreg [dreg:$0x0]  }
0x2: {  	s0 =	rddreg [dreg:$0x1];
	s2 =	simm.s32 $0x0;
	s5 =	srdreg.scid  }
0x3: {  	s1 =	stileid.u32;
	s10 =	simm.s32 $0x0;
	[smem:$0x7FF] =	sst s2  }
0x4: {  	s3 =	sadd.s32 $0xD800, s4;
	s5 =	sand.u32 $0x1, s5;
	s6 =	sshll.u32 s1, $0xB  }
0x5: {  	s8 =	smul.u32 $0x9000, s1;
	_ =	strace $0x8000004D;
	s7 =	sshll.u32 s5, $0xA  }
0x6: {  	s9 =	ssub.s32 $0x2, s5;
	s5 =	smul.u32 $0x4800, s5;
	s6 =	sor.u32 s7, s6  }
0x7: {  	s30 =	sshrl.u32 s9, $0x1;
	s8 =	sadd.s32 s8, s4;
	s6 =	sshrl.u32 s6, $0x3  }
0x8: {  	s7 =	ssub.s32 s9, s30;
	s31 =	sadd.s32 s5, s8;
	s8 =	simm.s32 $0x80  }
0x9: {  	s9 =	simm.s32 $0x1;
	s6 =	sadd.s32 s6, s4;
	s4 =	smax.u32 s7, $0x1  }
0xa: {  	s7 =	simm.s32 $0x2;
	s5 =	sadd.s32 $0x152800, s6;
	s6 =	sadd.s32 $0x153800, s31  }
.LBB2_1:
0xb: {  	s11 =	sadd.s32 $0x0, s5  }
0xc: {  	[tilespmem:s2], [sflag:$0x2] =	stream.linear.gather [hbm4b:s11+s2], $0x80, $0x38;
	[tilespmem:$0x4880] =	vst v63  }
0xd: {  	_ =	swait.ge [sflag:s7], $0x80  }
0xe: {  	[sflag:s7] =	ssyncset.done $0x0  }
0xf: {  	[sflag:s7] =	ssyncadd.s32 $0xFFFFFF80  }
0x10: {  	[tilespmem:s8], [sflag:$0x1] =	stream.indirect.gather [hbm4b:s3+s8], $0x90, s2, s8, $0xb8;
	[tilespmem:$0x4880] =	vst v63  }
0x11: {  	_ =	swait.ge [sflag:s9], $0x4800  }
0x12: {  	[sflag:s9] =	ssyncset.done $0x0  }
0x13: {  	[sflag:s9] =	ssyncadd.s32 $0xFFFFB800  }
0x14: {  	[hbm4b:s6+s2] =	stream.linear.scatter [tilespmem:s8], [sflag:$0x2], $0x4800, $0x38;
	[tilespmem:$0x4880] =	vst v63  }
0x15: {  	s12 =	simm.s32 $0x10;
	_ =	swait.ge [sflag:s7], $0x4800  }
0x16: {  	s13 =	simm.s32 $0x20;
	s11 =	sadd.s32 $0x900, s6;
	[sflag:s7] =	ssyncset.done $0x0  }
.LBB2_2:
0x17: {  	s14 =	sadd.s32 s12, s5  }
0x18: {  	[sflag:s7] =	ssyncadd.s32 $0xFFFFB800;
	s12 =	smov.u32 s13;
	s15 =	sadd.s32 $0x10, s13  }
0x19: {  	[tilespmem:s2], [sflag:$0x2] =	stream.linear.gather [hbm4b:s14+s2], $0x80, $0x38;
	[tilespmem:$0x4880] =	vst v63  }
0x1a: {  	p0 =	sne.s32 s13, $0x70;
	_ =	swait.ge [sflag:s7], $0x80  }
0x1b: {  	[sflag:s7] =	ssyncset.done $0x0  }
0x1c: {  	[sflag:s7] =	ssyncadd.s32 $0xFFFFFF80  }
0x1d: {  	[tilespmem:s8], [sflag:$0x1] =	stream.indirect.gather [hbm4b:s3+s8], $0x90, s2, s8, $0xb8;
	[tilespmem:$0x4880] =	vst v63  }
0x1e: {  	_ =	swait.ge [sflag:s9], $0x4800  }
.Ltmp0:
0x1f: {  	[sflag:s9] =	ssyncset.done $0x0;
	(pc) =	sbr.rel @p0 .LBB2_2-.Ltmp0, $4  }
0x20: {  	[sflag:s9] =	ssyncadd.s32 $0xFFFFB800  }
0x21: {  	[hbm4b:s11+s2] =	stream.linear.scatter [tilespmem:s8], [sflag:$0x2], $0x4800, $0x38;
	[tilespmem:$0x4880] =	vst v63  }
0x22: {  	_ =	swait.ge [sflag:s7], $0x4800  }
0x23: {  	s13 =	smov.u32 s15;
	s11 =	sadd.s32 $0x900, s11;
	[sflag:s7] =	ssyncset.done $0x0  }
0x24: {  	s12 =	sadd.s32 s12, s5;
	[sflag:s7] =	ssyncadd.s32 $0xFFFFB800  }
0x25: {  	[tilespmem:s2], [sflag:$0x2] =	stream.linear.gather [hbm4b:s12+s2], $0x80, $0x38;
	[tilespmem:$0x4880] =	vst v63  }
0x26: {  	_ =	swait.ge [sflag:s7], $0x80  }
0x27: {  	[sflag:s7] =	ssyncset.done $0x0  }
0x28: {  	[sflag:s7] =	ssyncadd.s32 $0xFFFFFF80  }
0x29: {  	[tilespmem:s8], [sflag:$0x1] =	stream.indirect.gather [hbm4b:s3+s8], $0x90, s2, s8, $0xb8;
	[tilespmem:$0x4880] =	vst v63  }
0x2a: {  	s10 =	sadd.s32 $0x1, s10;
	_ =	swait.ge [sflag:s9], $0x4800  }
0x2b: {  	p0 =	sne.s32 s10, s4;
	[sflag:s9] =	ssyncset.done $0x0  }
.Ltmp1:
0x2c: {  	[sflag:s9] =	ssyncadd.s32 $0xFFFFB800;
	(pc) =	sbr.rel @p0 .LBB2_1-.Ltmp1, $4  }
0x2d: {  	[hbm4b:s11+s2] =	stream.linear.scatter [tilespmem:s8], [sflag:$0x2], $0x4800, $0x38;
	[tilespmem:$0x4880] =	vst v63  }
0x2e: {  	_ =	swait.ge [sflag:s7], $0x4800  }
0x2f: {  	[sflag:s7] =	ssyncset.done $0x0  }
0x30: {  	[sflag:s7] =	ssyncadd.s32 $0xFFFFB800  }
0x31: {  	_ =	sfence.sel $0x180000  }
0x32: {  	[bflag:$0x0] =	sbarrier.arrive $0xFFFF  }
0x33: {  	p0 =	sne.s32 s1, $0x0;
	_ =	strace $0x9000004D  }
0x34: {  	s0 =	sadd.s32 @!p0 $0x100000, s0;
	[bflag:$0x2] =	sbarrier.arrive $0xFFFF  }
0x35: {  	[sflag:s0] =	ssyncadd.tile.s32 @!p0 $0x1;
	_ =	shalt  }
.Lfunc_end2:
_tile_overlayer_lowered:
.L_overlay_start_2:
0x36: {  	(tag) =	ssettag $0x2  }
0x37: {  	s0 =	rddreg [dreg:$0x0];
	s2 =	stileid.u32  }
0x38: {  	s1 =	rddreg [dreg:$0x1];
	p0 =	sne.s32 s2, $0x0  }
0x39: {  	s3 =	rddreg [dreg:$0x2];
	[bflag:$0x3] =	sbarrier.arrive $0xFFFF;
	s2 =	simm.s32 @!p0 $0x1C02  }
0x3a: {  	[timem:s3], [sflag:s2] =	dma.local @!p0 [hbm:s0], s1  }
0x3b: {  	s0 =	simm.s32 @!p0 $0x2  }
0x3c: {  	_ =	swait.ge @!p0 [sflag:s0], s1  }
0x3d: {  	s1 =	ssub.s32 @!p0 $0x0, s1;
	[sflag:s0] =	ssyncset.done @!p0 $0x0  }
0x3e: {  	[sflag:s0] =	ssyncadd.s32 @!p0 s1  }
0x3f: {  	[bflag:$0x3] =	sbarrier.arrive $0xFFFF  }
0x40: {  	_ =	shalt  }

// kernel: kernel.21.cloned.1.call-start
scs
__scs_entry_jumppad:
0x0: {  	(pc) =	sbr.rel $0x88, $3  }
0x1: {  	(tag) =	ssettag $0x0;
	lr =	simm.s32 $0x1  }
0x2: {  	[smem:$0x3F8D] =	sst lr;
	_ =	strace $0xD0000000  }
0x3: {  	_ = 	snop  }
0x4: {  	_ = 	snop  }
0x5: {  	_ = 	snop  }
0x6: {  	_ = 	snop  }
0x7: {  	_ = 	snop  }
__scs_overlays_trampoline_lowered:
0x8: {  	[smem:$0x3F9C] =	sst s0  }
0x9: {  	[smem:$0x3F9D] =	sst s1  }
0xa: {  	[smem:$0x3F9E] =	sst s2  }
0xb: {  	[smem:$0x3F9F] =	sst s3  }
0xc: {  	[smem:$0x3FA0] =	sst s4  }
0xd: {  	[smem:$0x3FA1] =	sst s5  }
0xe: {  	[smem:$0x3FA2] =	sst s6  }
0xf: {  	[smem:$0x3FA3] =	sst s7  }
0x10: {  	[smem:$0x3FA4] =	sst s8  }
0x11: {  	[smem:$0x3FA5] =	sst s9;
	s0 =	simm.s32 @!p0 $0x0  }
0x12: {  	s1 =	sld [smem:$0x3F8B];
	s0 =	simm.s32 @p0 $0x1  }
0x13: {  	[smem:$0x3FA6] =	sst s0;
	s0 =	simm.s32 @!p1 $0x0  }
0x14: {  	s2 =	sld [smem:$0x3F8A];
	s0 =	simm.s32 @p1 $0x1  }
0x15: {  	[smem:$0x3FA7] =	sst s0;
	s0 =	simm.s32 @!p2 $0x0  }
0x16: {  	s3 =	sld [smem:$0x3FDB];
	s0 =	simm.s32 @p2 $0x1  }
0x17: {  	s4 =	simm.s32 $0x1BF5;
	[smem:$0x3FA9] =	sst s0  }
0x18: {  	s0 =	sld [smem:$0x3F8C];
	_ =	swait.ge [sflag:s4], $0x0  }
0x19: {  	s7 =	sld [smem:$0x3F8D]  }
0x1a: {  	s8 =	sadd.s32 $0xFFFFE003, lr  }
0x1b: {  	s9 =	sadd.s32 $0xFFFFFEF7, lr;
	s5 =	simm.s32 $0xFFFFFFFF;
	p2 =	slt.u32 s8, $0xFFFFF086  }
0x1c: {  	p1 =	slt.u32 s9, $0xF7A;
	s5 =	simm.s32 @!p2 $0x0  }
0x1d: {  	s5 =	simm.s32 @p1 $0x1;
	p0 =	seq.s32 s7, s2  }
0x1e: {  	s7 =	smul.u32 @!p0 $0xF7A, s2;
	p2 =	seq.s32 @!p0 s5, $0x0  }
0x1f: {  	s9 =	smul.u32 $0xF7A, s1;
	s8 =	simm.s32 @!p0 $0x1BF5;
	p2 =	por !p2, p0  }
0x20: {  	[sflag:s8] =	ssyncset.s32 @!p0 $0xFFFFF086;
	s6 =	sadd.s32 @!p0 s3, s7;
	s7 =	simm.s32 @!p0 $0x108  }
0x21: {  	s3 =	sadd.s32 s3, s9;
	s6 =	sadd.s32 @!p0 $0x88, s6;
	s7 =	simm.s32 @p2 $0x1082  }
0x22: {  	[simem:s7], [sflag:s8] =	dma.local @!p0 [hbm:s6], $0xF7A  }
0x23: {  	s9 =	sor.u32 $0xD0000000, s2;
	s6 =	simm.s32 $0x108;
	_ =	swait.ge @!p0 [sflag:s8], $0x0  }
0x24: {  	s3 =	sadd.s32 $0x88, s3;
	s6 =	simm.s32 @!p1 $0x1082;
	[sflag:s4] =	ssyncset.s32 $0xFFFFF086  }
0x25: {  	[simem:s6], [sflag:s4] =	dma.local [hbm:s3], $0xF7A  }
0x26: {  	[smem:$0x3F8D] =	sst s1;
	(tag) =	ssettag s2;
	_ =	strace s9  }
0x27: {  	s1 =	sld [smem:$0x3F9D]  }
0x28: {  	s2 =	sld [smem:$0x3F9E]  }
0x29: {  	s4 =	sld [smem:$0x3FA0]  }
0x2a: {  	p0 =	seq.s32 s5, $0x0;
	s5 =	sld [smem:$0x3FA1]  }
0x2b: {  	s6 =	sld [smem:$0x3FA2]  }
0x2c: {  	s7 =	sld [smem:$0x3FA3]  }
0x2d: {  	s3 =	simm.s32 $0x108;
	s8 =	sld [smem:$0x3FA4]  }
0x2e: {  	s3 =	simm.s32 @!p0 $0x1082;
	s9 =	sld [smem:$0x3FA5]  }
0x2f: {  	lr =	sadd.s32 s0, s3;
	s0 =	sld [smem:$0x3F9C]  }
0x30: {  	s3 =	sld [smem:$0x3F9F]  }
0x31: {  	[smem:$0x3FA8] =	sst s10  }
0x32: {  	s10 =	sld [smem:$0x3FA6];
	_ =	sdelay $0x3  }
0x33: {  	p0 =	seq.s32 s10, $0x1;
	s10 =	sld [smem:$0x3FA8];
	_ =	sdelay $0x3  }
0x34: {  	[smem:$0x3FA8] =	sst s10  }
0x35: {  	s10 =	sld [smem:$0x3FA7];
	_ =	sdelay $0x3  }
0x36: {  	p1 =	seq.s32 s10, $0x1;
	s10 =	sld [smem:$0x3FA8];
	_ =	sdelay $0x3  }
0x37: {  	[smem:$0x3FA8] =	sst s10  }
0x38: {  	s10 =	sld [smem:$0x3FA9]  }
0x39: {  	_ = 	snop;
	(pc) =	sbr.ind lr, $3  }
0x3a: {  	_ = 	snop  }
0x3b: {  	_ = 	snop  }
0x3c: {  	p2 =	seq.s32 s10, $0x1;
	s10 =	sld [smem:$0x3FA8]  }
0x3d: {  	_ =	shalt  }
0x3e: {  	_ =	shalt  }
0x3f: {  	_ =	shalt  }
0x40: {  	_ =	shalt  }
0x41: {  	_ =	shalt  }
0x42: {  	_ =	shalt  }
0x43: {  	_ =	shalt  }
0x44: {  	_ =	shalt  }
0x45: {  	_ =	shalt  }
0x46: {  	_ =	shalt  }
0x47: {  	_ =	shalt  }
0x48: {  	_ =	shalt  }
0x49: {  	_ =	shalt  }
0x4a: {  	_ =	shalt  }
0x4b: {  	_ =	shalt  }
0x4c: {  	_ =	shalt  }
0x4d: {  	_ =	shalt  }
0x4e: {  	_ =	shalt  }
0x4f: {  	_ =	shalt  }
0x50: {  	_ =	shalt  }
0x51: {  	_ =	shalt  }
0x52: {  	_ =	shalt  }
0x53: {  	_ =	shalt  }
0x54: {  	_ =	shalt  }
0x55: {  	_ =	shalt  }
0x56: {  	_ =	shalt  }
0x57: {  	_ =	shalt  }
0x58: {  	_ =	shalt  }
0x59: {  	_ =	shalt  }
0x5a: {  	_ =	shalt  }
0x5b: {  	_ =	shalt  }
0x5c: {  	_ =	shalt  }
0x5d: {  	_ =	shalt  }
0x5e: {  	_ =	shalt  }
0x5f: {  	_ =	shalt  }
0x60: {  	_ =	shalt  }
0x61: {  	_ =	shalt  }
0x62: {  	_ =	shalt  }
0x63: {  	_ =	shalt  }
0x64: {  	_ =	shalt  }
0x65: {  	_ =	shalt  }
0x66: {  	_ =	shalt  }
0x67: {  	_ =	shalt  }
0x68: {  	_ =	shalt  }
0x69: {  	_ =	shalt  }
0x6a: {  	_ =	shalt  }
0x6b: {  	_ =	shalt  }
0x6c: {  	_ =	shalt  }
0x6d: {  	_ =	shalt  }
0x6e: {  	_ =	shalt  }
0x6f: {  	_ =	shalt  }
0x70: {  	_ =	shalt  }
0x71: {  	_ =	shalt  }
0x72: {  	_ =	shalt  }
0x73: {  	_ =	shalt  }
0x74: {  	_ =	shalt  }
0x75: {  	_ =	shalt  }
0x76: {  	_ =	shalt  }
0x77: {  	_ =	shalt  }
0x78: {  	_ =	shalt  }
0x79: {  	_ =	shalt  }
0x7a: {  	_ =	shalt  }
0x7b: {  	_ =	shalt  }
0x7c: {  	_ =	shalt  }
0x7d: {  	_ =	shalt  }
0x7e: {  	_ =	shalt  }
0x7f: {  	_ =	shalt  }
0x80: {  	_ =	shalt  }
0x81: {  	_ =	shalt  }
0x82: {  	_ =	shalt  }
0x83: {  	_ =	shalt  }
0x84: {  	_ =	shalt  }
0x85: {  	_ =	shalt  }
0x86: {  	_ =	shalt  }
0x87: {  	_ =	shalt  }
.Lfunc_end0:
.L_simem_size_0:
called_computation.2_lowered:
.L_overlay_start_0:
0x88: {  	s2 =	sld [smem:$0x3FD9]  }
0x89: {  	s3 =	sld [smem:$0x3FFE];
	_ =	sdelay $0x1  }
0x8a: {  	s1 =	srdreg.scid  }
0x8b: {  	s0 =	sand.u32 $0x1, s1  }
0x8c: {  	s17 =	sshll.u32 s0, $0xA;
	s2 =	sadd.s32 s3, s2  }
0x8d: {  	s2 =	sadd.s32 s2, s17  }
0x8e: {  	[smem:$0x3FB4] =	sst s2  }
0x8f: {  	_ = 	snop  }
0x90: {  	(tm) =	ssettm $0x1  }
0x91: {  	s18 =	sld [smem:$0x3FFB];
	_ =	sdelay $0x3  }
0x92: {  	_ =	strace s18  }
0x93: {  	s2 =	sld [smem:$0x3FFC];
	_ =	sdelay $0x3  }
0x94: {  	_ =	strace s2  }
0x95: {  	s2 =	sld [smem:$0x3FFD];
	_ =	sdelay $0x3  }
0x96: {  	_ =	strace s2  }
0x97: {  	_ =	strace $0x8FFFFFFF  }
0x98: {  	s19 =	sld [smem:$0x3FDB];
	_ =	sdelay $0x1  }
0x99: {  	s20 =	simm.s32 $_scs_section_size  }
0x9a: {  	s4 =	simm.s32 $_size__tile_overlayer_lowered;
	s5 =	simm.s32 $_tile_overlayer_lowered  }
0x9b: {  	s6 =	simm.s32 $0x1BFF;
	s21 =	sshll.u32 s5, $0x1;
	s3 =	sadd.s32 s20, s19  }
0x9c: {  	s22 =	simm.s32 $0x0;
	s4 =	sshll.u32 s4, $0x1;
	s5 =	sadd.s32 s21, s3  }
0x9d: {  	[timem:s22], [sflag:s6] =	dma.local [hbm:s5], s4  }
0x9e: {  	_ =	swait.ge [sflag:s6], s4  }
0x9f: {  	s4 =	ssub.s32 $0x0, s4;
	[sflag:s6] =	ssyncset.done $0x0  }
0xa0: {  	[sflag:s6] =	ssyncadd.s32 s4;
	_ =	sdelay $0x1  }
0xa1: {  	s23 =	simm.s32 $0x1B8B  }
0xa2: {  	_ =	swait.ge [sflag:s23], $0x1  }
0xa3: {  	[sflag:s23] =	ssyncset.done $0x0  }
0xa4: {  	[sflag:s23] =	ssyncadd.s32 $0xFFFFFFFF  }
0xa5: {  	s4 =	sld [smem:$0x0]  }
0xa6: {  	s5 =	sand.u32 $0xFFFFFFFE, s1  }
0xa7: {  	p0 =	sne.s32 s1, s5  }
0xa8: {  	s5 =	sshll.u32 @p0 s5, $0xE  }
0xa9: {  	s5 =	sadd.s32 @p0 $0x11B8D, s5;
	s6 =	sshll.u32 @p0 s4, $0x11  }
0xaa: {  	s5 =	sor.u32 @p0 s6, s5  }
0xab: {  	[sflag:s5] =	ssyncadd.remote.s32 @p0 $0x1;
	_ =	sdelay $0x1  }
0xac: {  	s5 =	simm.s32 @p0 $0x1B8D  }
0xad: {  	_ =	swait.eq @p0 [sflag:s5], $0x1  }
0xae: {  	[sflag:s5] =	ssyncadd.s32 @p0 $0xFFFFFFFF  }
0xaf: {  	s6 =	sshll.u32 @!p0 s1, $0xE  }
0xb0: {  	s6 =	sor.u32 @!p0 $0x4000, s6;
	s5 =	simm.s32 @!p0 $0x1B8D  }
0xb1: {  	s4 =	sshll.u32 @!p0 s4, $0x11;
	s6 =	sadd.s32 @!p0 $0x11B8D, s6;
	_ =	swait.eq @!p0 [sflag:s5], $0x1  }
0xb2: {  	s4 =	sor.u32 @!p0 s4, s6;
	[sflag:s5] =	ssyncadd.s32 @!p0 $0xFFFFFFFF  }
0xb3: {  	s25 =	simm.s32 $0x1B8E;
	s24 =	sld [smem:$0x3FFE];
	[sflag:s4] =	ssyncadd.remote.s32 @!p0 $0x1  }
0xb4: {  	s26 =	simm.s32 $execute0_lowered;
	[smem:$0x3FD2] =	sst s25  }
0xb5: {  	s5 =	sshll.u32 s26, $0x1;
	_ =	strace $0x80000049;
	[dreg:$0x1] =	wrdreg $0xFFFFFFFF  }
0xb6: {  	s28 =	simm.s32 $_size_execute0_lowered;
	s3 =	sadd.s32 s3, s5;
	[dreg:$0x0] =	wrdreg $0x0  }
0xb7: {  	s5 =	sshll.u32 s28, $0x1;
	[dreg:$0x2] =	wrdreg s3  }
0xb8: {  	[dreg:$0x3] =	wrdreg s5  }
0xb9: {  	[dreg:$0x4] =	wrdreg $0xC0  }
0xba: {  	_ =	task [dreg:s22], $0x5FFFF  }
0xbb: {  	[dreg:$0x1] =	wrdreg $0xFFFFFFFF  }
0xbc: {  	[dreg:$0x0] =	wrdreg $0x60  }
0xbd: {  	[dreg:$0x2] =	wrdreg s24  }
0xbe: {  	[dreg:$0x3] =	wrdreg $0xB  }
0xbf: {  	_ =	task.clear_ibuf [dreg:s22], $0x4FFFF;
	_ =	strace $0x90000049  }
0xc0: {  	s29 =	simm.s32 $0xB;
	_ =	strace $0x8000004B  }
0xc1: {  	_ =	swait.ge [sflag:s29], $0x1  }
0xc2: {  	[sflag:s29] =	ssyncadd.s32 $0xFFFFFFFF  }
0xc3: {  	_ =	strace $0x9000004B  }
0xc4: {  	_ =	sfence  }
0xc5: {  	s30 =	sld [smem:$0x0];
	_ =	sdelay $0x2  }
0xc6: {  	s31 =	sshll.u32 s1, $0xD;
	s1 =	sshrl.u32 s1, $0x2  }
0xc7: {  	s4 =	sand.u32 $0x4000, s31;
	s1 =	sadd.s32 s1, s30  }
0xc8: {  	s0 =	sor.u32 s4, s0;
	s1 =	sshll.u32 s1, $0x11  }
0xc9: {  	s0 =	sor.u32 s1, s0  }
0xca: {  	s0 =	sadd.s32 $0x8F2B, s0  }
0xcb: {  	[sflag:s0] =	ssyncadd.remote.s32 $0x1  }
0xcc: {  	_ =	sfence.sel $0xFFFF  }
0xcd: {  	[dreg:$0x0] =	wrdreg $0xFFFFFFFF;
	(pc) =	sbr.abs _section_cstart, $3  }
0xce: {  	[dreg:$0x1] =	wrdreg $0xFFFFFFFF  }
0xcf: {  	_ =	task.clear_ibuf [dreg:s22], $0x2FFFF;
	_ =	strace $0x9FFFFFFF  }
0xd0: {  	(tm) =	ssettm $0x7FFFFFFF  }
0xd1: {  	_ =	shalt  }
tec
execute0_lowered:
.L_overlay_start_1:
0x0: {  	(tag) =	ssettag $0x1  }
0x1: {  	s4 =	rddreg [dreg:$0x0]  }
0x2: {  	s0 =	rddreg [dreg:$0x1];
	s2 =	simm.s32 $0x0;
	s5 =	srdreg.scid  }
0x3: {  	s1 =	stileid.u32;
	s10 =	simm.s32 $0x0;
	[smem:$0x7FF] =	sst s2  }
0x4: {  	s3 =	sadd.s32 $0xD800, s4;
	s5 =	sand.u32 $0x1, s5;
	s6 =	sshll.u32 s1, $0xB  }
0x5: {  	s8 =	smul.u32 $0x9000, s1;
	_ =	strace $0x8000004A;
	s7 =	sshll.u32 s5, $0xA  }
0x6: {  	s9 =	ssub.s32 $0x2, s5;
	s5 =	smul.u32 $0x4800, s5;
	s6 =	sor.u32 s7, s6  }
0x7: {  	s30 =	sshrl.u32 s9, $0x1;
	s8 =	sadd.s32 s8, s4;
	s6 =	sshrl.u32 s6, $0x3  }
0x8: {  	s7 =	ssub.s32 s9, s30;
	s31 =	sadd.s32 s5, s8;
	s8 =	simm.s32 $0x80  }
0x9: {  	s9 =	simm.s32 $0x1;
	s6 =	sadd.s32 s6, s4;
	s4 =	smax.u32 s7, $0x1  }
0xa: {  	s7 =	simm.s32 $0x2;
	s5 =	sadd.s32 $0xC1800, s6;
	s6 =	sadd.s32 $0xC2800, s31  }
.LBB2_1:
0xb: {  	s11 =	sadd.s32 $0x0, s5  }
0xc: {  	[tilespmem:s2], [sflag:$0x2] =	stream.linear.gather [hbm4b:s11+s2], $0x80, $0x38;
	[tilespmem:$0x4880] =	vst v63  }
0xd: {  	_ =	swait.ge [sflag:s7], $0x80  }
0xe: {  	[sflag:s7] =	ssyncset.done $0x0  }
0xf: {  	[sflag:s7] =	ssyncadd.s32 $0xFFFFFF80  }
0x10: {  	[tilespmem:s8], [sflag:$0x1] =	stream.indirect.gather [hbm4b:s3+s8], $0x90, s2, s8, $0xb8;
	[tilespmem:$0x4880] =	vst v63  }
0x11: {  	_ =	swait.ge [sflag:s9], $0x4800  }
0x12: {  	[sflag:s9] =	ssyncset.done $0x0  }
0x13: {  	[sflag:s9] =	ssyncadd.s32 $0xFFFFB800  }
0x14: {  	[hbm4b:s6+s2] =	stream.linear.scatter [tilespmem:s8], [sflag:$0x2], $0x4800, $0x38;
	[tilespmem:$0x4880] =	vst v63  }
0x15: {  	s12 =	simm.s32 $0x10;
	_ =	swait.ge [sflag:s7], $0x4800  }
0x16: {  	s13 =	simm.s32 $0x20;
	s11 =	sadd.s32 $0x900, s6;
	[sflag:s7] =	ssyncset.done $0x0  }
.LBB2_2:
0x17: {  	s14 =	sadd.s32 s12, s5  }
0x18: {  	[sflag:s7] =	ssyncadd.s32 $0xFFFFB800;
	s12 =	smov.u32 s13;
	s15 =	sadd.s32 $0x10, s13  }
0x19: {  	[tilespmem:s2], [sflag:$0x2] =	stream.linear.gather [hbm4b:s14+s2], $0x80, $0x38;
	[tilespmem:$0x4880] =	vst v63  }
0x1a: {  	p0 =	sne.s32 s13, $0x70;
	_ =	swait.ge [sflag:s7], $0x80  }
0x1b: {  	[sflag:s7] =	ssyncset.done $0x0  }
0x1c: {  	[sflag:s7] =	ssyncadd.s32 $0xFFFFFF80  }
0x1d: {  	[tilespmem:s8], [sflag:$0x1] =	stream.indirect.gather [hbm4b:s3+s8], $0x90, s2, s8, $0xb8;
	[tilespmem:$0x4880] =	vst v63  }
0x1e: {  	_ =	swait.ge [sflag:s9], $0x4800  }
.Ltmp0:
0x1f: {  	[sflag:s9] =	ssyncset.done $0x0;
	(pc) =	sbr.rel @p0 .LBB2_2-.Ltmp0, $4  }
0x20: {  	[sflag:s9] =	ssyncadd.s32 $0xFFFFB800  }
0x21: {  	[hbm4b:s11+s2] =	stream.linear.scatter [tilespmem:s8], [sflag:$0x2], $0x4800, $0x38;
	[tilespmem:$0x4880] =	vst v63  }
0x22: {  	_ =	swait.ge [sflag:s7], $0x4800  }
0x23: {  	s13 =	smov.u32 s15;
	s11 =	sadd.s32 $0x900, s11;
	[sflag:s7] =	ssyncset.done $0x0  }
0x24: {  	s12 =	sadd.s32 s12, s5;
	[sflag:s7] =	ssyncadd.s32 $0xFFFFB800  }
0x25: {  	[tilespmem:s2], [sflag:$0x2] =	stream.linear.gather [hbm4b:s12+s2], $0x80, $0x38;
	[tilespmem:$0x4880] =	vst v63  }
0x26: {  	_ =	swait.ge [sflag:s7], $0x80  }
0x27: {  	[sflag:s7] =	ssyncset.done $0x0  }
0x28: {  	[sflag:s7] =	ssyncadd.s32 $0xFFFFFF80  }
0x29: {  	[tilespmem:s8], [sflag:$0x1] =	stream.indirect.gather [hbm4b:s3+s8], $0x90, s2, s8, $0xb8;
	[tilespmem:$0x4880] =	vst v63  }
0x2a: {  	s10 =	sadd.s32 $0x1, s10;
	_ =	swait.ge [sflag:s9], $0x4800  }
0x2b: {  	p0 =	sne.s32 s10, s4;
	[sflag:s9] =	ssyncset.done $0x0  }
.Ltmp1:
0x2c: {  	[sflag:s9] =	ssyncadd.s32 $0xFFFFB800;
	(pc) =	sbr.rel @p0 .LBB2_1-.Ltmp1, $4  }
0x2d: {  	[hbm4b:s11+s2] =	stream.linear.scatter [tilespmem:s8], [sflag:$0x2], $0x4800, $0x38;
	[tilespmem:$0x4880] =	vst v63  }
0x2e: {  	_ =	swait.ge [sflag:s7], $0x4800  }
0x2f: {  	[sflag:s7] =	ssyncset.done $0x0  }
0x30: {  	[sflag:s7] =	ssyncadd.s32 $0xFFFFB800  }
0x31: {  	_ =	sfence.sel $0x180000  }
0x32: {  	[bflag:$0x0] =	sbarrier.arrive $0xFFFF  }
0x33: {  	p0 =	sne.s32 s1, $0x0;
	_ =	strace $0x9000004A  }
0x34: {  	s0 =	sadd.s32 @!p0 $0x100000, s0;
	[bflag:$0x2] =	sbarrier.arrive $0xFFFF  }
0x35: {  	[sflag:s0] =	ssyncadd.tile.s32 @!p0 $0x1;
	_ =	shalt  }
.Lfunc_end2:
_tile_overlayer_lowered:
.L_overlay_start_2:
0x36: {  	(tag) =	ssettag $0x2  }
0x37: {  	s0 =	rddreg [dreg:$0x0];
	s2 =	stileid.u32  }
0x38: {  	s1 =	rddreg [dreg:$0x1];
	p0 =	sne.s32 s2, $0x0  }
0x39: {  	s3 =	rddreg [dreg:$0x2];
	[bflag:$0x3] =	sbarrier.arrive $0xFFFF;
	s2 =	simm.s32 @!p0 $0x1C02  }
0x3a: {  	[timem:s3], [sflag:s2] =	dma.local @!p0 [hbm:s0], s1  }
0x3b: {  	s0 =	simm.s32 @!p0 $0x2  }
0x3c: {  	_ =	swait.ge @!p0 [sflag:s0], s1  }
0x3d: {  	s1 =	ssub.s32 @!p0 $0x0, s1;
	[sflag:s0] =	ssyncset.done @!p0 $0x0  }
0x3e: {  	[sflag:s0] =	ssyncadd.s32 @!p0 s1  }
0x3f: {  	[bflag:$0x3] =	sbarrier.arrive $0xFFFF  }
0x40: {  	_ =	shalt  }

// kernel: kernel.24.cloned.1.call-start
scs
__scs_entry_jumppad:
0x0: {  	(pc) =	sbr.rel $0x88, $3  }
0x1: {  	(tag) =	ssettag $0x0;
	lr =	simm.s32 $0x1  }
0x2: {  	[smem:$0x3F8D] =	sst lr;
	_ =	strace $0xD0000000  }
0x3: {  	_ = 	snop  }
0x4: {  	_ = 	snop  }
0x5: {  	_ = 	snop  }
0x6: {  	_ = 	snop  }
0x7: {  	_ = 	snop  }
__scs_overlays_trampoline_lowered:
0x8: {  	[smem:$0x3F9C] =	sst s0  }
0x9: {  	[smem:$0x3F9D] =	sst s1  }
0xa: {  	[smem:$0x3F9E] =	sst s2  }
0xb: {  	[smem:$0x3F9F] =	sst s3  }
0xc: {  	[smem:$0x3FA0] =	sst s4  }
0xd: {  	[smem:$0x3FA1] =	sst s5  }
0xe: {  	[smem:$0x3FA2] =	sst s6  }
0xf: {  	[smem:$0x3FA3] =	sst s7  }
0x10: {  	[smem:$0x3FA4] =	sst s8  }
0x11: {  	[smem:$0x3FA5] =	sst s9;
	s0 =	simm.s32 @!p0 $0x0  }
0x12: {  	s1 =	sld [smem:$0x3F8B];
	s0 =	simm.s32 @p0 $0x1  }
0x13: {  	[smem:$0x3FA6] =	sst s0;
	s0 =	simm.s32 @!p1 $0x0  }
0x14: {  	s2 =	sld [smem:$0x3F8A];
	s0 =	simm.s32 @p1 $0x1  }
0x15: {  	[smem:$0x3FA7] =	sst s0;
	s0 =	simm.s32 @!p2 $0x0  }
0x16: {  	s3 =	sld [smem:$0x3FDB];
	s0 =	simm.s32 @p2 $0x1  }
0x17: {  	s4 =	simm.s32 $0x1BF5;
	[smem:$0x3FA9] =	sst s0  }
0x18: {  	s0 =	sld [smem:$0x3F8C];
	_ =	swait.ge [sflag:s4], $0x0  }
0x19: {  	s7 =	sld [smem:$0x3F8D]  }
0x1a: {  	s8 =	sadd.s32 $0xFFFFE003, lr  }
0x1b: {  	s9 =	sadd.s32 $0xFFFFFEF7, lr;
	s5 =	simm.s32 $0xFFFFFFFF;
	p2 =	slt.u32 s8, $0xFFFFF086  }
0x1c: {  	p1 =	slt.u32 s9, $0xF7A;
	s5 =	simm.s32 @!p2 $0x0  }
0x1d: {  	s5 =	simm.s32 @p1 $0x1;
	p0 =	seq.s32 s7, s2  }
0x1e: {  	s7 =	smul.u32 @!p0 $0xF7A, s2;
	p2 =	seq.s32 @!p0 s5, $0x0  }
0x1f: {  	s9 =	smul.u32 $0xF7A, s1;
	s8 =	simm.s32 @!p0 $0x1BF5;
	p2 =	por !p2, p0  }
0x20: {  	[sflag:s8] =	ssyncset.s32 @!p0 $0xFFFFF086;
	s6 =	sadd.s32 @!p0 s3, s7;
	s7 =	simm.s32 @!p0 $0x108  }
0x21: {  	s3 =	sadd.s32 s3, s9;
	s6 =	sadd.s32 @!p0 $0x88, s6;
	s7 =	simm.s32 @p2 $0x1082  }
0x22: {  	[simem:s7], [sflag:s8] =	dma.local @!p0 [hbm:s6], $0xF7A  }
0x23: {  	s9 =	sor.u32 $0xD0000000, s2;
	s6 =	simm.s32 $0x108;
	_ =	swait.ge @!p0 [sflag:s8], $0x0  }
0x24: {  	s3 =	sadd.s32 $0x88, s3;
	s6 =	simm.s32 @!p1 $0x1082;
	[sflag:s4] =	ssyncset.s32 $0xFFFFF086  }
0x25: {  	[simem:s6], [sflag:s4] =	dma.local [hbm:s3], $0xF7A  }
0x26: {  	[smem:$0x3F8D] =	sst s1;
	(tag) =	ssettag s2;
	_ =	strace s9  }
0x27: {  	s1 =	sld [smem:$0x3F9D]  }
0x28: {  	s2 =	sld [smem:$0x3F9E]  }
0x29: {  	s4 =	sld [smem:$0x3FA0]  }
0x2a: {  	p0 =	seq.s32 s5, $0x0;
	s5 =	sld [smem:$0x3FA1]  }
0x2b: {  	s6 =	sld [smem:$0x3FA2]  }
0x2c: {  	s7 =	sld [smem:$0x3FA3]  }
0x2d: {  	s3 =	simm.s32 $0x108;
	s8 =	sld [smem:$0x3FA4]  }
0x2e: {  	s3 =	simm.s32 @!p0 $0x1082;
	s9 =	sld [smem:$0x3FA5]  }
0x2f: {  	lr =	sadd.s32 s0, s3;
	s0 =	sld [smem:$0x3F9C]  }
0x30: {  	s3 =	sld [smem:$0x3F9F]  }
0x31: {  	[smem:$0x3FA8] =	sst s10  }
0x32: {  	s10 =	sld [smem:$0x3FA6];
	_ =	sdelay $0x3  }
0x33: {  	p0 =	seq.s32 s10, $0x1;
	s10 =	sld [smem:$0x3FA8];
	_ =	sdelay $0x3  }
0x34: {  	[smem:$0x3FA8] =	sst s10  }
0x35: {  	s10 =	sld [smem:$0x3FA7];
	_ =	sdelay $0x3  }
0x36: {  	p1 =	seq.s32 s10, $0x1;
	s10 =	sld [smem:$0x3FA8];
	_ =	sdelay $0x3  }
0x37: {  	[smem:$0x3FA8] =	sst s10  }
0x38: {  	s10 =	sld [smem:$0x3FA9]  }
0x39: {  	_ = 	snop;
	(pc) =	sbr.ind lr, $3  }
0x3a: {  	_ = 	snop  }
0x3b: {  	_ = 	snop  }
0x3c: {  	p2 =	seq.s32 s10, $0x1;
	s10 =	sld [smem:$0x3FA8]  }
0x3d: {  	_ =	shalt  }
0x3e: {  	_ =	shalt  }
0x3f: {  	_ =	shalt  }
0x40: {  	_ =	shalt  }
0x41: {  	_ =	shalt  }
0x42: {  	_ =	shalt  }
0x43: {  	_ =	shalt  }
0x44: {  	_ =	shalt  }
0x45: {  	_ =	shalt  }
0x46: {  	_ =	shalt  }
0x47: {  	_ =	shalt  }
0x48: {  	_ =	shalt  }
0x49: {  	_ =	shalt  }
0x4a: {  	_ =	shalt  }
0x4b: {  	_ =	shalt  }
0x4c: {  	_ =	shalt  }
0x4d: {  	_ =	shalt  }
0x4e: {  	_ =	shalt  }
0x4f: {  	_ =	shalt  }
0x50: {  	_ =	shalt  }
0x51: {  	_ =	shalt  }
0x52: {  	_ =	shalt  }
0x53: {  	_ =	shalt  }
0x54: {  	_ =	shalt  }
0x55: {  	_ =	shalt  }
0x56: {  	_ =	shalt  }
0x57: {  	_ =	shalt  }
0x58: {  	_ =	shalt  }
0x59: {  	_ =	shalt  }
0x5a: {  	_ =	shalt  }
0x5b: {  	_ =	shalt  }
0x5c: {  	_ =	shalt  }
0x5d: {  	_ =	shalt  }
0x5e: {  	_ =	shalt  }
0x5f: {  	_ =	shalt  }
0x60: {  	_ =	shalt  }
0x61: {  	_ =	shalt  }
0x62: {  	_ =	shalt  }
0x63: {  	_ =	shalt  }
0x64: {  	_ =	shalt  }
0x65: {  	_ =	shalt  }
0x66: {  	_ =	shalt  }
0x67: {  	_ =	shalt  }
0x68: {  	_ =	shalt  }
0x69: {  	_ =	shalt  }
0x6a: {  	_ =	shalt  }
0x6b: {  	_ =	shalt  }
0x6c: {  	_ =	shalt  }
0x6d: {  	_ =	shalt  }
0x6e: {  	_ =	shalt  }
0x6f: {  	_ =	shalt  }
0x70: {  	_ =	shalt  }
0x71: {  	_ =	shalt  }
0x72: {  	_ =	shalt  }
0x73: {  	_ =	shalt  }
0x74: {  	_ =	shalt  }
0x75: {  	_ =	shalt  }
0x76: {  	_ =	shalt  }
0x77: {  	_ =	shalt  }
0x78: {  	_ =	shalt  }
0x79: {  	_ =	shalt  }
0x7a: {  	_ =	shalt  }
0x7b: {  	_ =	shalt  }
0x7c: {  	_ =	shalt  }
0x7d: {  	_ =	shalt  }
0x7e: {  	_ =	shalt  }
0x7f: {  	_ =	shalt  }
0x80: {  	_ =	shalt  }
0x81: {  	_ =	shalt  }
0x82: {  	_ =	shalt  }
0x83: {  	_ =	shalt  }
0x84: {  	_ =	shalt  }
0x85: {  	_ =	shalt  }
0x86: {  	_ =	shalt  }
0x87: {  	_ =	shalt  }
.Lfunc_end0:
.L_simem_size_0:
called_computation.3_lowered:
.L_overlay_start_0:
0x88: {  	s2 =	sld [smem:$0x3FD9]  }
0x89: {  	s3 =	sld [smem:$0x3FFE];
	_ =	sdelay $0x1  }
0x8a: {  	s1 =	srdreg.scid  }
0x8b: {  	s0 =	sand.u32 $0x1, s1  }
0x8c: {  	s14 =	sshll.u32 s0, $0xA;
	s2 =	sadd.s32 s3, s2  }
0x8d: {  	s2 =	sadd.s32 s2, s14  }
0x8e: {  	[smem:$0x3FB4] =	sst s2  }
0x8f: {  	_ = 	snop  }
0x90: {  	s2 =	sld [smem:$0x3FD0];
	_ =	sdelay $0x2  }
0x91: {  	s15 =	simm.s32 $0xD;
	s4 =	simm.s32 $0x10  }
0x92: {  	[smem:s4], [sflag:s15] =	dma.local [hbm:s2], $0x1  }
0x93: {  	_ =	swait.eq [sflag:s15], $0x1  }
0x94: {  	[sflag:s15] =	ssyncset.done $0x0  }
0x95: {  	[sflag:s15] =	ssyncadd.s32 $0xFFFFFFFF  }
0x96: {  	s16 =	sld [smem:$0x11];
	(tm) =	ssettm $0x1  }
0x97: {  	s17 =	sld [smem:$0x3FFB];
	_ =	sdelay $0x3  }
0x98: {  	_ =	strace s17  }
0x99: {  	s3 =	sld [smem:$0x3FFC];
	_ =	sdelay $0x3  }
0x9a: {  	_ =	strace s3  }
0x9b: {  	s3 =	sld [smem:$0x3FFD];
	_ =	sdelay $0x3  }
0x9c: {  	_ =	strace s3  }
0x9d: {  	_ =	strace $0x8FFFFFFF  }
0x9e: {  	s18 =	sld [smem:$0x3FDB];
	_ =	sdelay $0x1  }
0x9f: {  	s19 =	simm.s32 $_scs_section_size  }
0xa0: {  	s5 =	simm.s32 $_size__tile_overlayer_lowered;
	s6 =	simm.s32 $_tile_overlayer_lowered  }
0xa1: {  	s22 =	simm.s32 $0x1BFF;
	s21 =	sshll.u32 s6, $0x1;
	s3 =	sadd.s32 s19, s18  }
0xa2: {  	s7 =	simm.s32 $0x0;
	s20 =	sshll.u32 s5, $0x1;
	s5 =	sadd.s32 s21, s3  }
0xa3: {  	[timem:s7], [sflag:s22] =	dma.local [hbm:s5], s20  }
0xa4: {  	_ =	swait.ge [sflag:s22], s20  }
0xa5: {  	s4 =	ssub.s32 $0x0, s20;
	[sflag:s22] =	ssyncset.done $0x0  }
0xa6: {  	[sflag:s22] =	ssyncadd.s32 s4;
	_ =	sdelay $0x1  }
0xa7: {  	s23 =	simm.s32 $0x1B8B  }
0xa8: {  	_ =	swait.ge [sflag:s23], $0x1  }
0xa9: {  	[sflag:s23] =	ssyncset.done $0x0  }
0xaa: {  	s25 =	simm.s32 $0x1B8E;
	s24 =	sld [smem:$0x3FFE];
	[sflag:s23] =	ssyncadd.s32 $0xFFFFFFFF  }
0xab: {  	s26 =	simm.s32 $execute0_lowered;
	[smem:$0x3FD2] =	sst s25  }
0xac: {  	s5 =	sshll.u32 s26, $0x1;
	_ =	strace $0x80000046;
	[dreg:$0x1] =	wrdreg $0xFFFFFFFF  }
0xad: {  	s28 =	simm.s32 $_size_execute0_lowered;
	s3 =	sadd.s32 s3, s5;
	[dreg:$0x0] =	wrdreg $0x0  }
0xae: {  	s5 =	sshll.u32 s28, $0x1;
	[dreg:$0x2] =	wrdreg s3  }
0xaf: {  	[dreg:$0x3] =	wrdreg s5  }
0xb0: {  	[dreg:$0x4] =	wrdreg $0xC0  }
0xb1: {  	_ =	task [dreg:s7], $0x5FFFF  }
0xb2: {  	[dreg:$0x1] =	wrdreg $0xFFFFFFFF  }
0xb3: {  	[dreg:$0x0] =	wrdreg $0x60  }
0xb4: {  	[dreg:$0x2] =	wrdreg s24  }
0xb5: {  	[dreg:$0x3] =	wrdreg s16  }
0xb6: {  	[dreg:$0x4] =	wrdreg $0xC  }
0xb7: {  	_ =	task.clear_ibuf [dreg:s7], $0x5FFFF;
	_ =	strace $0x90000046  }
0xb8: {  	s29 =	simm.s32 $0xC;
	_ =	strace $0x80000048  }
0xb9: {  	_ =	swait.ge [sflag:s29], $0x1  }
0xba: {  	[sflag:s29] =	ssyncadd.s32 $0xFFFFFFFF  }
0xbb: {  	_ =	strace $0x90000048  }
0xbc: {  	_ =	sfence  }
0xbd: {  	s30 =	sld [smem:$0x0];
	_ =	sdelay $0x2  }
0xbe: {  	s31 =	sshll.u32 s1, $0xD;
	s1 =	sshrl.u32 s1, $0x2  }
0xbf: {  	s3 =	sand.u32 $0x4000, s31;
	s1 =	sadd.s32 s1, s30  }
0xc0: {  	s0 =	sor.u32 s3, s0;
	s1 =	sshll.u32 s1, $0x11  }
0xc1: {  	s0 =	sor.u32 s1, s0  }
0xc2: {  	s0 =	sadd.s32 $0x8F2B, s0  }
0xc3: {  	[sflag:s0] =	ssyncadd.remote.s32 $0x1  }
0xc4: {  	_ =	sfence.sel $0xFFFF  }
0xc5: {  	[dreg:$0x0] =	wrdreg $0xFFFFFFFF;
	(pc) =	sbr.abs _section_cstart, $3  }
0xc6: {  	[dreg:$0x1] =	wrdreg $0xFFFFFFFF  }
0xc7: {  	_ =	task.clear_ibuf [dreg:s7], $0x2FFFF;
	_ =	strace $0x9FFFFFFF  }
0xc8: {  	(tm) =	ssettm $0x7FFFFFFF  }
0xc9: {  	_ =	shalt  }
tec
execute0_lowered:
.L_overlay_start_1:
0x0: {  	(tag) =	ssettag $0x1  }
0x1: {  	s3 =	rddreg [dreg:$0x0]  }
0x2: {  	s5 =	rddreg [dreg:$0x1]  }
0x3: {  	s0 =	rddreg [dreg:$0x2];
	s1 =	stileid.u32  }
0x4: {  	s4 =	srdreg.scid;
	s2 =	simm.s32 $0x0;
	s6 =	smul.u32 $0x9000, s1  }
0x5: {  	s4 =	sand.u32 $0x1, s4;
	[smem:$0x7FF] =	sst s2;
	s9 =	sshll.u32 s1, $0xB  }
0x6: {  	s7 =	ssub.s32 $0x2, s4;
	_ =	strace $0x80000047;
	s10 =	sshll.u32 s4, $0xA  }
0x7: {  	s11 =	smul.u32 $0x4800, s4;
	s6 =	sadd.s32 s6, s3;
	s8 =	sshrl.u32 s7, $0x1  }
0x8: {  	s3 =	sadd.s32 $0xD800, s3;
	s31 =	sor.u32 s10, s9;
	s9 =	simm.s32 $0x1  }
0x9: {  	s10 =	simm.s32 $0x0;
	s30 =	ssub.s32 s7, s8;
	s7 =	sshrl.u32 s31, $0x3  }
0xa: {  	s6 =	sadd.s32 s11, s6;
	s8 =	simm.s32 $0x80;
	s4 =	smax.u32 s30, $0x1  }
0xb: {  	s5 =	sadd.s32 s7, s5;
	s6 =	sadd.s32 $0x31800, s6;
	s7 =	simm.s32 $0x2  }
.LBB2_1:
0xc: {  	s11 =	sadd.s32 $0x0, s5  }
0xd: {  	[tilespmem:s2], [sflag:$0x2] =	stream.linear.gather [hbm4b:s11+s2], $0x80, $0x38;
	[tilespmem:$0x4880] =	vst v63  }
0xe: {  	_ =	swait.ge [sflag:s7], $0x80  }
0xf: {  	[sflag:s7] =	ssyncset.done $0x0  }
0x10: {  	[sflag:s7] =	ssyncadd.s32 $0xFFFFFF80  }
0x11: {  	[tilespmem:s8], [sflag:$0x1] =	stream.indirect.gather [hbm4b:s3+s8], $0x90, s2, s8, $0xb8;
	[tilespmem:$0x4880] =	vst v63  }
0x12: {  	_ =	swait.ge [sflag:s9], $0x4800  }
0x13: {  	[sflag:s9] =	ssyncset.done $0x0  }
0x14: {  	[sflag:s9] =	ssyncadd.s32 $0xFFFFB800  }
0x15: {  	[hbm4b:s6+s2] =	stream.linear.scatter [tilespmem:s8], [sflag:$0x2], $0x4800, $0x38;
	[tilespmem:$0x4880] =	vst v63  }
0x16: {  	s12 =	simm.s32 $0x10;
	_ =	swait.ge [sflag:s7], $0x4800  }
0x17: {  	s13 =	simm.s32 $0x20;
	s11 =	sadd.s32 $0x900, s6;
	[sflag:s7] =	ssyncset.done $0x0  }
.LBB2_2:
0x18: {  	s14 =	sadd.s32 s12, s5  }
0x19: {  	[sflag:s7] =	ssyncadd.s32 $0xFFFFB800;
	s12 =	smov.u32 s13;
	s15 =	sadd.s32 $0x10, s13  }
0x1a: {  	[tilespmem:s2], [sflag:$0x2] =	stream.linear.gather [hbm4b:s14+s2], $0x80, $0x38;
	[tilespmem:$0x4880] =	vst v63  }
0x1b: {  	p0 =	sne.s32 s13, $0x70;
	_ =	swait.ge [sflag:s7], $0x80  }
0x1c: {  	[sflag:s7] =	ssyncset.done $0x0  }
0x1d: {  	[sflag:s7] =	ssyncadd.s32 $0xFFFFFF80  }
0x1e: {  	[tilespmem:s8], [sflag:$0x1] =	stream.indirect.gather [hbm4b:s3+s8], $0x90, s2, s8, $0xb8;
	[tilespmem:$0x4880] =	vst v63  }
0x1f: {  	_ =	swait.ge [sflag:s9], $0x4800  }
.Ltmp0:
0x20: {  	[sflag:s9] =	ssyncset.done $0x0;
	(pc) =	sbr.rel @p0 .LBB2_2-.Ltmp0, $4  }
0x21: {  	[sflag:s9] =	ssyncadd.s32 $0xFFFFB800  }
0x22: {  	[hbm4b:s11+s2] =	stream.linear.scatter [tilespmem:s8], [sflag:$0x2], $0x4800, $0x38;
	[tilespmem:$0x4880] =	vst v63  }
0x23: {  	_ =	swait.ge [sflag:s7], $0x4800  }
0x24: {  	s13 =	smov.u32 s15;
	s11 =	sadd.s32 $0x900, s11;
	[sflag:s7] =	ssyncset.done $0x0  }
0x25: {  	s12 =	sadd.s32 s12, s5;
	[sflag:s7] =	ssyncadd.s32 $0xFFFFB800  }
0x26: {  	[tilespmem:s2], [sflag:$0x2] =	stream.linear.gather [hbm4b:s12+s2], $0x80, $0x38;
	[tilespmem:$0x4880] =	vst v63  }
0x27: {  	_ =	swait.ge [sflag:s7], $0x80  }
0x28: {  	[sflag:s7] =	ssyncset.done $0x0  }
0x29: {  	[sflag:s7] =	ssyncadd.s32 $0xFFFFFF80  }
0x2a: {  	[tilespmem:s8], [sflag:$0x1] =	stream.indirect.gather [hbm4b:s3+s8], $0x90, s2, s8, $0xb8;
	[tilespmem:$0x4880] =	vst v63  }
0x2b: {  	s10 =	sadd.s32 $0x1, s10;
	_ =	swait.ge [sflag:s9], $0x4800  }
0x2c: {  	p0 =	sne.s32 s10, s4;
	[sflag:s9] =	ssyncset.done $0x0  }
.Ltmp1:
0x2d: {  	[sflag:s9] =	ssyncadd.s32 $0xFFFFB800;
	(pc) =	sbr.rel @p0 .LBB2_1-.Ltmp1, $4  }
0x2e: {  	[hbm4b:s11+s2] =	stream.linear.scatter [tilespmem:s8], [sflag:$0x2], $0x4800, $0x38;
	[tilespmem:$0x4880] =	vst v63  }
0x2f: {  	_ =	swait.ge [sflag:s7], $0x4800  }
0x30: {  	[sflag:s7] =	ssyncset.done $0x0  }
0x31: {  	[sflag:s7] =	ssyncadd.s32 $0xFFFFB800  }
0x32: {  	_ =	sfence.sel $0x180000  }
0x33: {  	[bflag:$0x0] =	sbarrier.arrive $0xFFFF  }
0x34: {  	p0 =	sne.s32 s1, $0x0;
	_ =	strace $0x90000047  }
0x35: {  	s0 =	sadd.s32 @!p0 $0x100000, s0;
	[bflag:$0x2] =	sbarrier.arrive $0xFFFF  }
0x36: {  	[sflag:s0] =	ssyncadd.tile.s32 @!p0 $0x1;
	_ =	shalt  }
.Lfunc_end2:
_tile_overlayer_lowered:
.L_overlay_start_2:
0x37: {  	(tag) =	ssettag $0x2  }
0x38: {  	s0 =	rddreg [dreg:$0x0];
	s2 =	stileid.u32  }
0x39: {  	s1 =	rddreg [dreg:$0x1];
	p0 =	sne.s32 s2, $0x0  }
0x3a: {  	s3 =	rddreg [dreg:$0x2];
	[bflag:$0x3] =	sbarrier.arrive $0xFFFF;
	s2 =	simm.s32 @!p0 $0x1C02  }
0x3b: {  	[timem:s3], [sflag:s2] =	dma.local @!p0 [hbm:s0], s1  }
0x3c: {  	s0 =	simm.s32 @!p0 $0x2  }
0x3d: {  	_ =	swait.ge @!p0 [sflag:s0], s1  }
0x3e: {  	s1 =	ssub.s32 @!p0 $0x0, s1;
	[sflag:s0] =	ssyncset.done @!p0 $0x0  }
0x3f: {  	[sflag:s0] =	ssyncadd.s32 @!p0 s1  }
0x40: {  	[bflag:$0x3] =	sbarrier.arrive $0xFFFF  }
0x41: {  	_ =	shalt  }

</sc_bundles>
